<compile_context>
chip_gen: v7x
topology: tpu7x:2x2x1
jax: 0.10.2.dev20260603
libtpu: 0.0.44.dev20260713+nightly
codegen_flags: <defaults>
</compile_context>

<pallas_src>
import functools

import jax
import jax.numpy as jnp
from jax import lax
from jax.experimental import pallas as pl
from jax.experimental.pallas import tpu as pltpu
from jax.experimental.pallas import tpu_sc as plsc

B = 16384
F = 26
V = 100000
D = 16
K = 50
NREF = 1000000

NC = 2
NS = 16
NW = NC * NS
ROWS_W = B // NW
CB = 128
NCH = ROWS_W // CB
LANES = 16


def _sc_body(xf_hbm, sf_hbm, emb_hbm, y_hbm,
             xemb_hbm, ynear_hbm,
             fx_v, off_v, s_v, y_v, emb_v, ych_v,
             sem_e, sem_y):
    cid = lax.axis_index("c")
    sid = lax.axis_index("s")
    w = sid * NC + cid

    for i in range(13):
        pos = lax.iota(jnp.int32, LANES) + (i * LANES)
        off_v[pl.ds(i * LANES, LANES)] = (pos % F) * V

    def chunk_body(c, _):
        base = pl.multiple_of(w * ROWS_W + c * CB, CB)
        pltpu.sync_copy(xf_hbm.at[pl.ds(pl.multiple_of(base * F, 8), CB * F)],
                        fx_v)
        pltpu.sync_copy(sf_hbm.at[pl.ds(pl.multiple_of(base * K, 8), CB * K)],
                        s_v)

        def fx_body(i, _):
            j = (i % 13) * LANES
            fx_v[pl.ds(i * LANES, LANES)] = (
                fx_v[pl.ds(i * LANES, LANES)] + off_v[pl.ds(j, LANES)])
            return 0
        lax.fori_loop(0, CB * F // LANES, fx_body, 0)

        cp_e = pltpu.async_copy(emb_hbm.at[fx_v], emb_v, sem_e)
        cp_y = pltpu.async_copy(y_hbm.at[s_v], y_v, sem_y)
        cp_y.wait()

        def row_body(r, _):
            def k_body(k, acc):
                return acc + y_v[pl.ds(k * CB + r * LANES, LANES)]
            acc = lax.fori_loop(0, K, k_body, jnp.zeros((LANES,), jnp.float32))
            ych_v[pl.ds(r * LANES, LANES)] = acc * (1.0 / (K + 1))
            return 0
        lax.fori_loop(0, CB // LANES, row_body, 0)
        pltpu.sync_copy(ych_v, ynear_hbm.at[pl.ds(pl.multiple_of(base, 8), CB)])

        cp_e.wait()
        pltpu.sync_copy(emb_v, xemb_hbm.at[pl.ds(base * F, CB * F), :])
        return 0

    lax.fori_loop(0, NCH, chunk_body, 0)


@jax.jit
def _sc_gather(xf, sf, emb_flat, y_ref):
    mesh = plsc.VectorSubcoreMesh(core_axis_name="c", subcore_axis_name="s")
    return pl.kernel(
        _sc_body,
        mesh=mesh,
        compiler_params=pltpu.CompilerParams(use_tc_tiling_on_sc=False),
        out_type=(
            jax.ShapeDtypeStruct((B * F, D), jnp.float32),
            jax.ShapeDtypeStruct((B,), jnp.float32),
        ),
        scratch_types=[
            pltpu.VMEM((CB * F,), jnp.int32),
            pltpu.VMEM((208,), jnp.int32),
            pltpu.VMEM((CB * K,), jnp.int32),
            pltpu.VMEM((CB * K,), jnp.float32),
            pltpu.VMEM((CB * F, D), jnp.float32),
            pltpu.VMEM((CB,), jnp.float32),
            pltpu.SemaphoreType.DMA,
            pltpu.SemaphoreType.DMA,
        ],
    )(xf, sf, emb_flat, y_ref)


def _mlp_body(xemb_ref, yn_ref, w1a_ref, w1y_ref, b1_ref, w2_ref, b2_ref,
              w3_ref, b3_ref, out_ref):
    hp = lax.Precision.HIGHEST
    h = jnp.dot(xemb_ref[...], w1a_ref[...],
                preferred_element_type=jnp.float32, precision=hp)
    h = h + yn_ref[...] * w1y_ref[...] + b1_ref[...]
    h = jnp.maximum(h, 0.0)
    h = jnp.dot(h, w2_ref[...], preferred_element_type=jnp.float32,
                precision=hp) + b2_ref[...]
    h = jnp.maximum(h, 0.0)
    out_ref[...] = jnp.dot(h, w3_ref[...], preferred_element_type=jnp.float32,
                           precision=hp) + b3_ref[...]


@jax.jit
def _mlp(xemb, yn, w1a, w1y, b1, w2, b2, w3, b3):
    bm = 2048
    fd = F * D
    return pl.pallas_call(
        _mlp_body,
        grid=(B // bm,),
        in_specs=[
            pl.BlockSpec((bm, fd), lambda i: (i, 0)),
            pl.BlockSpec((bm, 1), lambda i: (i, 0)),
            pl.BlockSpec((fd, D), lambda i: (0, 0)),
            pl.BlockSpec((1, D), lambda i: (0, 0)),
            pl.BlockSpec((1, D), lambda i: (0, 0)),
            pl.BlockSpec((D, D), lambda i: (0, 0)),
            pl.BlockSpec((1, D), lambda i: (0, 0)),
            pl.BlockSpec((D, 1), lambda i: (0, 0)),
            pl.BlockSpec((1, 1), lambda i: (0, 0)),
        ],
        out_specs=pl.BlockSpec((bm, 1), lambda i: (i, 0)),
        out_shape=jax.ShapeDtypeStruct((B, 1), jnp.float32),
    )(xemb, yn, w1a, w1y, b1, w2, b2, w3, b3)


def kernel(X, S, emb_tables, y_ref, W1, b1, W2, b2, W3, b3):
    xf = X.astype(jnp.int32).reshape(-1)
    sf = (S.astype(jnp.int32)
          .reshape(B // CB, CB, K).swapaxes(1, 2).reshape(-1))
    emb_flat = emb_tables.reshape(F * V, D)
    xemb_rows, ynear = _sc_gather(xf, sf, emb_flat, y_ref)
    xemb = xemb_rows.reshape(B, F * D)
    yn2 = ynear.reshape(B, 1)
    w1a = W1[:F * D]
    w1y = W1[F * D:].reshape(1, D)
    return _mlp(xemb, yn2, w1a, w1y, b1.reshape(1, D), W2,
                b2.reshape(1, D), W3, b3.reshape(1, 1))

# --- scband reference (transcript-rebuilt; emitter-appended) ---
"""Pipeline reference for scband-my-neighbor-mean-3702261809841 (READ-ONLY COPY).

The authoritative reference and input builder live on the scoring server;
editing this copy changes nothing except your own understanding.
"""

import jax, jax.numpy as jnp
import numpy as np

B = 16384      # batch
F = 26         # num_features (sparse fields)
V = 100000     # categories per field
D = 16         # embedding dim / hidden dim (args.D)
K = 50         # num_neighbors
NREF = 1000000 # reference set size (rows of y_ref)


def setup_inputs(seed: int = 0) -> dict:
    key = jax.random.key(seed)
    ks = jax.random.split(key, 10)
    X = jax.random.randint(ks[0], (B, F), 0, V)
    S = jax.random.randint(ks[1], (B, K), 0, NREF)
    # learned params: per-field embedding tables (MyBasicEmb) + MLP output head
    emb_tables = jax.random.normal(ks[2], (F, V, D), dtype=jnp.float32) * 0.02
    y_ref = jax.random.normal(ks[3], (NREF,), dtype=jnp.float32)
    W1 = jax.random.normal(ks[4], (F * D + 1, D), dtype=jnp.float32) * 0.05
    b1 = jnp.zeros((D,), dtype=jnp.float32)
    W2 = jax.random.normal(ks[5], (D, D), dtype=jnp.float32) * 0.05
    b2 = jnp.zeros((D,), dtype=jnp.float32)
    W3 = jax.random.normal(ks[6], (D, 1), dtype=jnp.float32) * 0.05
    b3 = jnp.zeros((1,), dtype=jnp.float32)
    return {"X": X, "S": S, "emb_tables": emb_tables, "y_ref": y_ref,
            "W1": W1, "b1": b1, "W2": W2, "b2": b2, "W3": W3, "b3": b3}


def reference(X, S, emb_tables, y_ref, W1, b1, W2, b2, W3, b3):
    batch_size = X.shape[0]
    # MyBasicEmb: per-field embedding lookup, concat over fields -> [B, F*D]
    X_emb = jax.vmap(lambda tbl, idx: tbl[idx], in_axes=(0, 1), out_axes=1)(emb_tables, X)
    X_emb = X_emb.reshape(batch_size, -1)
    # neighbor mean of reference labels
    S_count = jnp.sum((S >= 0).astype(jnp.float32), axis=-1) + 1.0   # [B]
    S_count = S_count[:, None]                                        # [B, 1]
    y_near = jnp.take(y_ref, S, axis=0)[..., None]                    # [B, K, 1]
    y_near = jnp.sum(y_near, axis=1) / S_count                        # [B, 1]
    h = jnp.concatenate((X_emb, y_near), axis=-1)                     # [B, F*D+1]
    # output MLP: Dense(D, relu) -> Dense(D, relu) -> Dense(1)
    h = jax.nn.relu(h @ W1 + b1)
    h = jax.nn.relu(h @ W2 + b2)
    out = h @ W3 + b3
    return out

if __name__ == "__main__":
    import jax
    _d = setup_inputs()
    print(jax.jit(kernel)(*tuple(_d.values())))

</pallas_src>

<mosaic_0001>
#map = affine_map<(d0, d1) -> (0)>
#map1 = affine_map<(d0, d1) -> (0, 0)>
module attributes {stable_mosaic.version = 14 : i64} {
  func.func @_sc_body(%arg0: i32, %arg1: i32, %arg2: memref<425984xi32, #tpu.memory_space<hbm>>, %arg3: memref<819200xi32, #tpu.memory_space<hbm>>, %arg4: memref<2600000x16xf32, #tpu.memory_space<hbm>>, %arg5: memref<1000000xf32, #tpu.memory_space<hbm>>, %arg6: memref<425984x16xf32, #tpu.memory_space<hbm>>, %arg7: memref<16384xf32, #tpu.memory_space<hbm>>, %arg8: memref<3328xi32, #tpu.memory_space<vmem>>, %arg9: memref<208xi32, #tpu.memory_space<vmem>>, %arg10: memref<6400xi32, #tpu.memory_space<vmem>>, %arg11: memref<6400xf32, #tpu.memory_space<vmem>>, %arg12: memref<3328x16xf32, #tpu.memory_space<vmem>>, %arg13: memref<128xf32, #tpu.memory_space<vmem>>, %arg14: memref<!tpu.dma_semaphore, #tpu.memory_space<semaphore_mem>>, %arg15: memref<!tpu.dma_semaphore, #tpu.memory_space<semaphore_mem>>) attributes {dimension_semantics = [#tpu.dimension_semantics<core_parallel>, #tpu.dimension_semantics<subcore_parallel>], iteration_bounds = array<i64: 2, 16>, scalar_prefetch = 0 : i64, scratch_operands = 8 : i64, tpu.core_type = #tpu.core_type<sc_vector_subcore>, window_params = [{transform_indices = #map}, {transform_indices = #map}, {transform_indices = #map1}, {transform_indices = #map}, {transform_indices = #map1}, {transform_indices = #map}]} {
    %mul3A = arith.constant 2 : i32
    %mul3A_0 = arith.muli %arg1, %mul3A : i32
    %add3A = arith.addi %mul3A_0, %arg0 : i32
    %iota3A = tpu.iota {dimensions = array<i32: 0>} : vector<16xi32>
    %add3A_1 = arith.constant 0 : i32
    %add3A_2 = vector.broadcast %add3A_1 : i32 to vector<16xi32>
    %add3A_3 = arith.addi %iota3A, %add3A_2 : vector<16xi32>
    %jit3A = arith.constant 26 : i32
    %eq3A = arith.constant 0 : i32
    %eq3A_4 = arith.cmpi eq, %jit3A, %eq3A : i32
    %jit3A_5 = arith.constant 1 : i32
    %select_n3A = arith.select %eq3A_4, %jit3A_5, %jit3A : i32
    %rem3A = vector.broadcast %select_n3A : i32 to vector<16xi32>
    %rem3A_6 = arith.remsi %add3A_3, %rem3A : vector<16xi32>
    %ne3A = arith.constant 0 : i32
    %ne3A_7 = vector.broadcast %ne3A : i32 to vector<16xi32>
    %ne3A_8 = arith.cmpi ne, %rem3A_6, %ne3A_7 : vector<16xi32>
    %lt3A = arith.constant 0 : i32
    %lt3A_9 = vector.broadcast %lt3A : i32 to vector<16xi32>
    %lt3A_10 = arith.cmpi slt, %rem3A_6, %lt3A_9 : vector<16xi32>
    %lt3A_11 = arith.constant 0 : i32
    %lt3A_12 = arith.cmpi slt, %select_n3A, %lt3A_11 : i32
    %ne3A_13 = vector.broadcast %lt3A_12 : i1 to vector<16xi1>
    %ne3A_14 = vector.broadcast %ne3A_13 : vector<16xi1> to vector<16xi1>
    %ne3A_15 = arith.xori %lt3A_10, %ne3A_14 : vector<16xi1>
    %and3A = arith.andi %ne3A_15, %ne3A_8 : vector<16xi1>
    %add3A_16 = vector.broadcast %select_n3A : i32 to vector<16xi32>
    %add3A_17 = arith.addi %rem3A_6, %add3A_16 : vector<16xi32>
    %select_n3A_18 = arith.select %and3A, %add3A_17, %rem3A_6 : vector<16xi1>, vector<16xi32>
    %mul3A_19 = arith.constant 100000 : i32
    %mul3A_20 = vector.broadcast %mul3A_19 : i32 to vector<16xi32>
    %mul3A_21 = arith.muli %select_n3A_18, %mul3A_20 : vector<16xi32>
    %swap3A = arith.constant 0 : index
    %swap3A_22 = tpu.vector_load %arg9[%swap3A] {strides = array<i32>} : memref<208xi32, #tpu.memory_space<vmem>>, vector<16xi32>,
    %swap3A_23 = vector.shape_cast %swap3A_22 : vector<16xi32> to vector<16xi32>
    %swap3A_24 = vector.shape_cast %mul3A_21 : vector<16xi32> to vector<16xi32>
    tpu.vector_store %arg9[%swap3A], %swap3A_24 {strides = array<i32>} : memref<208xi32, #tpu.memory_space<vmem>>, vector<16xi32>,
    %iota3A_25 = tpu.iota {dimensions = array<i32: 0>} : vector<16xi32>
    %add3A_26 = arith.constant 16 : i32
    %add3A_27 = vector.broadcast %add3A_26 : i32 to vector<16xi32>
    %add3A_28 = arith.addi %iota3A_25, %add3A_27 : vector<16xi32>
    %jit3A_29 = arith.constant 26 : i32
    %eq3A_30 = arith.constant 0 : i32
    %eq3A_31 = arith.cmpi eq, %jit3A_29, %eq3A_30 : i32
    %jit3A_32 = arith.constant 1 : i32
    %select_n3A_33 = arith.select %eq3A_31, %jit3A_32, %jit3A_29 : i32
    %rem3A_34 = vector.broadcast %select_n3A_33 : i32 to vector<16xi32>
    %rem3A_35 = arith.remsi %add3A_28, %rem3A_34 : vector<16xi32>
    %ne3A_36 = arith.constant 0 : i32
    %ne3A_37 = vector.broadcast %ne3A_36 : i32 to vector<16xi32>
    %ne3A_38 = arith.cmpi ne, %rem3A_35, %ne3A_37 : vector<16xi32>
    %lt3A_39 = arith.constant 0 : i32
    %lt3A_40 = vector.broadcast %lt3A_39 : i32 to vector<16xi32>
    %lt3A_41 = arith.cmpi slt, %rem3A_35, %lt3A_40 : vector<16xi32>
    %lt3A_42 = arith.constant 0 : i32
    %lt3A_43 = arith.cmpi slt, %select_n3A_33, %lt3A_42 : i32
    %ne3A_44 = vector.broadcast %lt3A_43 : i1 to vector<16xi1>
    %ne3A_45 = vector.broadcast %ne3A_44 : vector<16xi1> to vector<16xi1>
    %ne3A_46 = arith.xori %lt3A_41, %ne3A_45 : vector<16xi1>
    %and3A_47 = arith.andi %ne3A_46, %ne3A_38 : vector<16xi1>
    %add3A_48 = vector.broadcast %select_n3A_33 : i32 to vector<16xi32>
    %add3A_49 = arith.addi %rem3A_35, %add3A_48 : vector<16xi32>
    %select_n3A_50 = arith.select %and3A_47, %add3A_49, %rem3A_35 : vector<16xi1>, vector<16xi32>
    %mul3A_51 = arith.constant 100000 : i32
    %mul3A_52 = vector.broadcast %mul3A_51 : i32 to vector<16xi32>
    %mul3A_53 = arith.muli %select_n3A_50, %mul3A_52 : vector<16xi32>
    %swap3A_54 = arith.constant 16 : index
    %swap3A_55 = tpu.vector_load %arg9[%swap3A_54] {strides = array<i32>} : memref<208xi32, #tpu.memory_space<vmem>>, vector<16xi32>,
    %swap3A_56 = vector.shape_cast %swap3A_55 : vector<16xi32> to vector<16xi32>
    %swap3A_57 = vector.shape_cast %mul3A_53 : vector<16xi32> to vector<16xi32>
    tpu.vector_store %arg9[%swap3A_54], %swap3A_57 {strides = array<i32>} : memref<208xi32, #tpu.memory_space<vmem>>, vector<16xi32>,
    %iota3A_58 = tpu.iota {dimensions = array<i32: 0>} : vector<16xi32>
    %add3A_59 = arith.constant 32 : i32
    %add3A_60 = vector.broadcast %add3A_59 : i32 to vector<16xi32>
    %add3A_61 = arith.addi %iota3A_58, %add3A_60 : vector<16xi32>
    %jit3A_62 = arith.constant 26 : i32
    %eq3A_63 = arith.constant 0 : i32
    %eq3A_64 = arith.cmpi eq, %jit3A_62, %eq3A_63 : i32
    %jit3A_65 = arith.constant 1 : i32
    %select_n3A_66 = arith.select %eq3A_64, %jit3A_65, %jit3A_62 : i32
    %rem3A_67 = vector.broadcast %select_n3A_66 : i32 to vector<16xi32>
    %rem3A_68 = arith.remsi %add3A_61, %rem3A_67 : vector<16xi32>
    %ne3A_69 = arith.constant 0 : i32
    %ne3A_70 = vector.broadcast %ne3A_69 : i32 to vector<16xi32>
    %ne3A_71 = arith.cmpi ne, %rem3A_68, %ne3A_70 : vector<16xi32>
    %lt3A_72 = arith.constant 0 : i32
    %lt3A_73 = vector.broadcast %lt3A_72 : i32 to vector<16xi32>
    %lt3A_74 = arith.cmpi slt, %rem3A_68, %lt3A_73 : vector<16xi32>
    %lt3A_75 = arith.constant 0 : i32
    %lt3A_76 = arith.cmpi slt, %select_n3A_66, %lt3A_75 : i32
    %ne3A_77 = vector.broadcast %lt3A_76 : i1 to vector<16xi1>
    %ne3A_78 = vector.broadcast %ne3A_77 : vector<16xi1> to vector<16xi1>
    %ne3A_79 = arith.xori %lt3A_74, %ne3A_78 : vector<16xi1>
    %and3A_80 = arith.andi %ne3A_79, %ne3A_71 : vector<16xi1>
    %add3A_81 = vector.broadcast %select_n3A_66 : i32 to vector<16xi32>
    %add3A_82 = arith.addi %rem3A_68, %add3A_81 : vector<16xi32>
    %select_n3A_83 = arith.select %and3A_80, %add3A_82, %rem3A_68 : vector<16xi1>, vector<16xi32>
    %mul3A_84 = arith.constant 100000 : i32
    %mul3A_85 = vector.broadcast %mul3A_84 : i32 to vector<16xi32>
    %mul3A_86 = arith.muli %select_n3A_83, %mul3A_85 : vector<16xi32>
    %swap3A_87 = arith.constant 32 : index
    %swap3A_88 = tpu.vector_load %arg9[%swap3A_87] {strides = array<i32>} : memref<208xi32, #tpu.memory_space<vmem>>, vector<16xi32>,
    %swap3A_89 = vector.shape_cast %swap3A_88 : vector<16xi32> to vector<16xi32>
    %swap3A_90 = vector.shape_cast %mul3A_86 : vector<16xi32> to vector<16xi32>
    tpu.vector_store %arg9[%swap3A_87], %swap3A_90 {strides = array<i32>} : memref<208xi32, #tpu.memory_space<vmem>>, vector<16xi32>,
    %iota3A_91 = tpu.iota {dimensions = array<i32: 0>} : vector<16xi32>
    %add3A_92 = arith.constant 48 : i32
    %add3A_93 = vector.broadcast %add3A_92 : i32 to vector<16xi32>
    %add3A_94 = arith.addi %iota3A_91, %add3A_93 : vector<16xi32>
    %jit3A_95 = arith.constant 26 : i32
    %eq3A_96 = arith.constant 0 : i32
    %eq3A_97 = arith.cmpi eq, %jit3A_95, %eq3A_96 : i32
    %jit3A_98 = arith.constant 1 : i32
    %select_n3A_99 = arith.select %eq3A_97, %jit3A_98, %jit3A_95 : i32
    %rem3A_100 = vector.broadcast %select_n3A_99 : i32 to vector<16xi32>
    %rem3A_101 = arith.remsi %add3A_94, %rem3A_100 : vector<16xi32>
    %ne3A_102 = arith.constant 0 : i32
    %ne3A_103 = vector.broadcast %ne3A_102 : i32 to vector<16xi32>
    %ne3A_104 = arith.cmpi ne, %rem3A_101, %ne3A_103 : vector<16xi32>
    %lt3A_105 = arith.constant 0 : i32
    %lt3A_106 = vector.broadcast %lt3A_105 : i32 to vector<16xi32>
    %lt3A_107 = arith.cmpi slt, %rem3A_101, %lt3A_106 : vector<16xi32>
    %lt3A_108 = arith.constant 0 : i32
    %lt3A_109 = arith.cmpi slt, %select_n3A_99, %lt3A_108 : i32
    %ne3A_110 = vector.broadcast %lt3A_109 : i1 to vector<16xi1>
    %ne3A_111 = vector.broadcast %ne3A_110 : vector<16xi1> to vector<16xi1>
    %ne3A_112 = arith.xori %lt3A_107, %ne3A_111 : vector<16xi1>
    %and3A_113 = arith.andi %ne3A_112, %ne3A_104 : vector<16xi1>
    %add3A_114 = vector.broadcast %select_n3A_99 : i32 to vector<16xi32>
    %add3A_115 = arith.addi %rem3A_101, %add3A_114 : vector<16xi32>
    %select_n3A_116 = arith.select %and3A_113, %add3A_115, %rem3A_101 : vector<16xi1>, vector<16xi32>
    %mul3A_117 = arith.constant 100000 : i32
    %mul3A_118 = vector.broadcast %mul3A_117 : i32 to vector<16xi32>
    %mul3A_119 = arith.muli %select_n3A_116, %mul3A_118 : vector<16xi32>
    %swap3A_120 = arith.constant 48 : index
    %swap3A_121 = tpu.vector_load %arg9[%swap3A_120] {strides = array<i32>} : memref<208xi32, #tpu.memory_space<vmem>>, vector<16xi32>,
    %swap3A_122 = vector.shape_cast %swap3A_121 : vector<16xi32> to vector<16xi32>
    %swap3A_123 = vector.shape_cast %mul3A_119 : vector<16xi32> to vector<16xi32>
    tpu.vector_store %arg9[%swap3A_120], %swap3A_123 {strides = array<i32>} : memref<208xi32, #tpu.memory_space<vmem>>, vector<16xi32>,
    %iota3A_124 = tpu.iota {dimensions = array<i32: 0>} : vector<16xi32>
    %add3A_125 = arith.constant 64 : i32
    %add3A_126 = vector.broadcast %add3A_125 : i32 to vector<16xi32>
    %add3A_127 = arith.addi %iota3A_124, %add3A_126 : vector<16xi32>
    %jit3A_128 = arith.constant 26 : i32
    %eq3A_129 = arith.constant 0 : i32
    %eq3A_130 = arith.cmpi eq, %jit3A_128, %eq3A_129 : i32
    %jit3A_131 = arith.constant 1 : i32
    %select_n3A_132 = arith.select %eq3A_130, %jit3A_131, %jit3A_128 : i32
    %rem3A_133 = vector.broadcast %select_n3A_132 : i32 to vector<16xi32>
    %rem3A_134 = arith.remsi %add3A_127, %rem3A_133 : vector<16xi32>
    %ne3A_135 = arith.constant 0 : i32
    %ne3A_136 = vector.broadcast %ne3A_135 : i32 to vector<16xi32>
    %ne3A_137 = arith.cmpi ne, %rem3A_134, %ne3A_136 : vector<16xi32>
    %lt3A_138 = arith.constant 0 : i32
    %lt3A_139 = vector.broadcast %lt3A_138 : i32 to vector<16xi32>
    %lt3A_140 = arith.cmpi slt, %rem3A_134, %lt3A_139 : vector<16xi32>
    %lt3A_141 = arith.constant 0 : i32
    %lt3A_142 = arith.cmpi slt, %select_n3A_132, %lt3A_141 : i32
    %ne3A_143 = vector.broadcast %lt3A_142 : i1 to vector<16xi1>
    %ne3A_144 = vector.broadcast %ne3A_143 : vector<16xi1> to vector<16xi1>
    %ne3A_145 = arith.xori %lt3A_140, %ne3A_144 : vector<16xi1>
    %and3A_146 = arith.andi %ne3A_145, %ne3A_137 : vector<16xi1>
    %add3A_147 = vector.broadcast %select_n3A_132 : i32 to vector<16xi32>
    %add3A_148 = arith.addi %rem3A_134, %add3A_147 : vector<16xi32>
    %select_n3A_149 = arith.select %and3A_146, %add3A_148, %rem3A_134 : vector<16xi1>, vector<16xi32>
    %mul3A_150 = arith.constant 100000 : i32
    %mul3A_151 = vector.broadcast %mul3A_150 : i32 to vector<16xi32>
    %mul3A_152 = arith.muli %select_n3A_149, %mul3A_151 : vector<16xi32>
    %swap3A_153 = arith.constant 64 : index
    %swap3A_154 = tpu.vector_load %arg9[%swap3A_153] {strides = array<i32>} : memref<208xi32, #tpu.memory_space<vmem>>, vector<16xi32>,
    %swap3A_155 = vector.shape_cast %swap3A_154 : vector<16xi32> to vector<16xi32>
    %swap3A_156 = vector.shape_cast %mul3A_152 : vector<16xi32> to vector<16xi32>
    tpu.vector_store %arg9[%swap3A_153], %swap3A_156 {strides = array<i32>} : memref<208xi32, #tpu.memory_space<vmem>>, vector<16xi32>,
    %iota3A_157 = tpu.iota {dimensions = array<i32: 0>} : vector<16xi32>
    %add3A_158 = arith.constant 80 : i32
    %add3A_159 = vector.broadcast %add3A_158 : i32 to vector<16xi32>
    %add3A_160 = arith.addi %iota3A_157, %add3A_159 : vector<16xi32>
    %jit3A_161 = arith.constant 26 : i32
    %eq3A_162 = arith.constant 0 : i32
    %eq3A_163 = arith.cmpi eq, %jit3A_161, %eq3A_162 : i32
    %jit3A_164 = arith.constant 1 : i32
    %select_n3A_165 = arith.select %eq3A_163, %jit3A_164, %jit3A_161 : i32
    %rem3A_166 = vector.broadcast %select_n3A_165 : i32 to vector<16xi32>
    %rem3A_167 = arith.remsi %add3A_160, %rem3A_166 : vector<16xi32>
    %ne3A_168 = arith.constant 0 : i32
    %ne3A_169 = vector.broadcast %ne3A_168 : i32 to vector<16xi32>
    %ne3A_170 = arith.cmpi ne, %rem3A_167, %ne3A_169 : vector<16xi32>
    %lt3A_171 = arith.constant 0 : i32
    %lt3A_172 = vector.broadcast %lt3A_171 : i32 to vector<16xi32>
    %lt3A_173 = arith.cmpi slt, %rem3A_167, %lt3A_172 : vector<16xi32>
    %lt3A_174 = arith.constant 0 : i32
    %lt3A_175 = arith.cmpi slt, %select_n3A_165, %lt3A_174 : i32
    %ne3A_176 = vector.broadcast %lt3A_175 : i1 to vector<16xi1>
    %ne3A_177 = vector.broadcast %ne3A_176 : vector<16xi1> to vector<16xi1>
    %ne3A_178 = arith.xori %lt3A_173, %ne3A_177 : vector<16xi1>
    %and3A_179 = arith.andi %ne3A_178, %ne3A_170 : vector<16xi1>
    %add3A_180 = vector.broadcast %select_n3A_165 : i32 to vector<16xi32>
    %add3A_181 = arith.addi %rem3A_167, %add3A_180 : vector<16xi32>
    %select_n3A_182 = arith.select %and3A_179, %add3A_181, %rem3A_167 : vector<16xi1>, vector<16xi32>
    %mul3A_183 = arith.constant 100000 : i32
    %mul3A_184 = vector.broadcast %mul3A_183 : i32 to vector<16xi32>
    %mul3A_185 = arith.muli %select_n3A_182, %mul3A_184 : vector<16xi32>
    %swap3A_186 = arith.constant 80 : index
    %swap3A_187 = tpu.vector_load %arg9[%swap3A_186] {strides = array<i32>} : memref<208xi32, #tpu.memory_space<vmem>>, vector<16xi32>,
    %swap3A_188 = vector.shape_cast %swap3A_187 : vector<16xi32> to vector<16xi32>
    %swap3A_189 = vector.shape_cast %mul3A_185 : vector<16xi32> to vector<16xi32>
    tpu.vector_store %arg9[%swap3A_186], %swap3A_189 {strides = array<i32>} : memref<208xi32, #tpu.memory_space<vmem>>, vector<16xi32>,
    %iota3A_190 = tpu.iota {dimensions = array<i32: 0>} : vector<16xi32>
    %add3A_191 = arith.constant 96 : i32
    %add3A_192 = vector.broadcast %add3A_191 : i32 to vector<16xi32>
    %add3A_193 = arith.addi %iota3A_190, %add3A_192 : vector<16xi32>
    %jit3A_194 = arith.constant 26 : i32
    %eq3A_195 = arith.constant 0 : i32
    %eq3A_196 = arith.cmpi eq, %jit3A_194, %eq3A_195 : i32
    %jit3A_197 = arith.constant 1 : i32
    %select_n3A_198 = arith.select %eq3A_196, %jit3A_197, %jit3A_194 : i32
    %rem3A_199 = vector.broadcast %select_n3A_198 : i32 to vector<16xi32>
    %rem3A_200 = arith.remsi %add3A_193, %rem3A_199 : vector<16xi32>
    %ne3A_201 = arith.constant 0 : i32
    %ne3A_202 = vector.broadcast %ne3A_201 : i32 to vector<16xi32>
    %ne3A_203 = arith.cmpi ne, %rem3A_200, %ne3A_202 : vector<16xi32>
    %lt3A_204 = arith.constant 0 : i32
    %lt3A_205 = vector.broadcast %lt3A_204 : i32 to vector<16xi32>
    %lt3A_206 = arith.cmpi slt, %rem3A_200, %lt3A_205 : vector<16xi32>
    %lt3A_207 = arith.constant 0 : i32
    %lt3A_208 = arith.cmpi slt, %select_n3A_198, %lt3A_207 : i32
    %ne3A_209 = vector.broadcast %lt3A_208 : i1 to vector<16xi1>
    %ne3A_210 = vector.broadcast %ne3A_209 : vector<16xi1> to vector<16xi1>
    %ne3A_211 = arith.xori %lt3A_206, %ne3A_210 : vector<16xi1>
    %and3A_212 = arith.andi %ne3A_211, %ne3A_203 : vector<16xi1>
    %add3A_213 = vector.broadcast %select_n3A_198 : i32 to vector<16xi32>
    %add3A_214 = arith.addi %rem3A_200, %add3A_213 : vector<16xi32>
    %select_n3A_215 = arith.select %and3A_212, %add3A_214, %rem3A_200 : vector<16xi1>, vector<16xi32>
    %mul3A_216 = arith.constant 100000 : i32
    %mul3A_217 = vector.broadcast %mul3A_216 : i32 to vector<16xi32>
    %mul3A_218 = arith.muli %select_n3A_215, %mul3A_217 : vector<16xi32>
    %swap3A_219 = arith.constant 96 : index
    %swap3A_220 = tpu.vector_load %arg9[%swap3A_219] {strides = array<i32>} : memref<208xi32, #tpu.memory_space<vmem>>, vector<16xi32>,
    %swap3A_221 = vector.shape_cast %swap3A_220 : vector<16xi32> to vector<16xi32>
    %swap3A_222 = vector.shape_cast %mul3A_218 : vector<16xi32> to vector<16xi32>
    tpu.vector_store %arg9[%swap3A_219], %swap3A_222 {strides = array<i32>} : memref<208xi32, #tpu.memory_space<vmem>>, vector<16xi32>,
    %iota3A_223 = tpu.iota {dimensions = array<i32: 0>} : vector<16xi32>
    %add3A_224 = arith.constant 112 : i32
    %add3A_225 = vector.broadcast %add3A_224 : i32 to vector<16xi32>
    %add3A_226 = arith.addi %iota3A_223, %add3A_225 : vector<16xi32>
    %jit3A_227 = arith.constant 26 : i32
    %eq3A_228 = arith.constant 0 : i32
    %eq3A_229 = arith.cmpi eq, %jit3A_227, %eq3A_228 : i32
    %jit3A_230 = arith.constant 1 : i32
    %select_n3A_231 = arith.select %eq3A_229, %jit3A_230, %jit3A_227 : i32
    %rem3A_232 = vector.broadcast %select_n3A_231 : i32 to vector<16xi32>
    %rem3A_233 = arith.remsi %add3A_226, %rem3A_232 : vector<16xi32>
    %ne3A_234 = arith.constant 0 : i32
    %ne3A_235 = vector.broadcast %ne3A_234 : i32 to vector<16xi32>
    %ne3A_236 = arith.cmpi ne, %rem3A_233, %ne3A_235 : vector<16xi32>
    %lt3A_237 = arith.constant 0 : i32
    %lt3A_238 = vector.broadcast %lt3A_237 : i32 to vector<16xi32>
    %lt3A_239 = arith.cmpi slt, %rem3A_233, %lt3A_238 : vector<16xi32>
    %lt3A_240 = arith.constant 0 : i32
    %lt3A_241 = arith.cmpi slt, %select_n3A_231, %lt3A_240 : i32
    %ne3A_242 = vector.broadcast %lt3A_241 : i1 to vector<16xi1>
    %ne3A_243 = vector.broadcast %ne3A_242 : vector<16xi1> to vector<16xi1>
    %ne3A_244 = arith.xori %lt3A_239, %ne3A_243 : vector<16xi1>
    %and3A_245 = arith.andi %ne3A_244, %ne3A_236 : vector<16xi1>
    %add3A_246 = vector.broadcast %select_n3A_231 : i32 to vector<16xi32>
    %add3A_247 = arith.addi %rem3A_233, %add3A_246 : vector<16xi32>
    %select_n3A_248 = arith.select %and3A_245, %add3A_247, %rem3A_233 : vector<16xi1>, vector<16xi32>
    %mul3A_249 = arith.constant 100000 : i32
    %mul3A_250 = vector.broadcast %mul3A_249 : i32 to vector<16xi32>
    %mul3A_251 = arith.muli %select_n3A_248, %mul3A_250 : vector<16xi32>
    %swap3A_252 = arith.constant 112 : index
    %swap3A_253 = tpu.vector_load %arg9[%swap3A_252] {strides = array<i32>} : memref<208xi32, #tpu.memory_space<vmem>>, vector<16xi32>,
    %swap3A_254 = vector.shape_cast %swap3A_253 : vector<16xi32> to vector<16xi32>
    %swap3A_255 = vector.shape_cast %mul3A_251 : vector<16xi32> to vector<16xi32>
    tpu.vector_store %arg9[%swap3A_252], %swap3A_255 {strides = array<i32>} : memref<208xi32, #tpu.memory_space<vmem>>, vector<16xi32>,
    %iota3A_256 = tpu.iota {dimensions = array<i32: 0>} : vector<16xi32>
    %add3A_257 = arith.constant 128 : i32
    %add3A_258 = vector.broadcast %add3A_257 : i32 to vector<16xi32>
    %add3A_259 = arith.addi %iota3A_256, %add3A_258 : vector<16xi32>
    %jit3A_260 = arith.constant 26 : i32
    %eq3A_261 = arith.constant 0 : i32
    %eq3A_262 = arith.cmpi eq, %jit3A_260, %eq3A_261 : i32
    %jit3A_263 = arith.constant 1 : i32
    %select_n3A_264 = arith.select %eq3A_262, %jit3A_263, %jit3A_260 : i32
    %rem3A_265 = vector.broadcast %select_n3A_264 : i32 to vector<16xi32>
    %rem3A_266 = arith.remsi %add3A_259, %rem3A_265 : vector<16xi32>
    %ne3A_267 = arith.constant 0 : i32
    %ne3A_268 = vector.broadcast %ne3A_267 : i32 to vector<16xi32>
    %ne3A_269 = arith.cmpi ne, %rem3A_266, %ne3A_268 : vector<16xi32>
    %lt3A_270 = arith.constant 0 : i32
    %lt3A_271 = vector.broadcast %lt3A_270 : i32 to vector<16xi32>
    %lt3A_272 = arith.cmpi slt, %rem3A_266, %lt3A_271 : vector<16xi32>
    %lt3A_273 = arith.constant 0 : i32
    %lt3A_274 = arith.cmpi slt, %select_n3A_264, %lt3A_273 : i32
    %ne3A_275 = vector.broadcast %lt3A_274 : i1 to vector<16xi1>
    %ne3A_276 = vector.broadcast %ne3A_275 : vector<16xi1> to vector<16xi1>
    %ne3A_277 = arith.xori %lt3A_272, %ne3A_276 : vector<16xi1>
    %and3A_278 = arith.andi %ne3A_277, %ne3A_269 : vector<16xi1>
    %add3A_279 = vector.broadcast %select_n3A_264 : i32 to vector<16xi32>
    %add3A_280 = arith.addi %rem3A_266, %add3A_279 : vector<16xi32>
    %select_n3A_281 = arith.select %and3A_278, %add3A_280, %rem3A_266 : vector<16xi1>, vector<16xi32>
    %mul3A_282 = arith.constant 100000 : i32
    %mul3A_283 = vector.broadcast %mul3A_282 : i32 to vector<16xi32>
    %mul3A_284 = arith.muli %select_n3A_281, %mul3A_283 : vector<16xi32>
    %swap3A_285 = arith.constant 128 : index
    %swap3A_286 = tpu.vector_load %arg9[%swap3A_285] {strides = array<i32>} : memref<208xi32, #tpu.memory_space<vmem>>, vector<16xi32>,
    %swap3A_287 = vector.shape_cast %swap3A_286 : vector<16xi32> to vector<16xi32>
    %swap3A_288 = vector.shape_cast %mul3A_284 : vector<16xi32> to vector<16xi32>
    tpu.vector_store %arg9[%swap3A_285], %swap3A_288 {strides = array<i32>} : memref<208xi32, #tpu.memory_space<vmem>>, vector<16xi32>,
    %iota3A_289 = tpu.iota {dimensions = array<i32: 0>} : vector<16xi32>
    %add3A_290 = arith.constant 144 : i32
    %add3A_291 = vector.broadcast %add3A_290 : i32 to vector<16xi32>
    %add3A_292 = arith.addi %iota3A_289, %add3A_291 : vector<16xi32>
    %jit3A_293 = arith.constant 26 : i32
    %eq3A_294 = arith.constant 0 : i32
    %eq3A_295 = arith.cmpi eq, %jit3A_293, %eq3A_294 : i32
    %jit3A_296 = arith.constant 1 : i32
    %select_n3A_297 = arith.select %eq3A_295, %jit3A_296, %jit3A_293 : i32
    %rem3A_298 = vector.broadcast %select_n3A_297 : i32 to vector<16xi32>
    %rem3A_299 = arith.remsi %add3A_292, %rem3A_298 : vector<16xi32>
    %ne3A_300 = arith.constant 0 : i32
    %ne3A_301 = vector.broadcast %ne3A_300 : i32 to vector<16xi32>
    %ne3A_302 = arith.cmpi ne, %rem3A_299, %ne3A_301 : vector<16xi32>
    %lt3A_303 = arith.constant 0 : i32
    %lt3A_304 = vector.broadcast %lt3A_303 : i32 to vector<16xi32>
    %lt3A_305 = arith.cmpi slt, %rem3A_299, %lt3A_304 : vector<16xi32>
    %lt3A_306 = arith.constant 0 : i32
    %lt3A_307 = arith.cmpi slt, %select_n3A_297, %lt3A_306 : i32
    %ne3A_308 = vector.broadcast %lt3A_307 : i1 to vector<16xi1>
    %ne3A_309 = vector.broadcast %ne3A_308 : vector<16xi1> to vector<16xi1>
    %ne3A_310 = arith.xori %lt3A_305, %ne3A_309 : vector<16xi1>
    %and3A_311 = arith.andi %ne3A_310, %ne3A_302 : vector<16xi1>
    %add3A_312 = vector.broadcast %select_n3A_297 : i32 to vector<16xi32>
    %add3A_313 = arith.addi %rem3A_299, %add3A_312 : vector<16xi32>
    %select_n3A_314 = arith.select %and3A_311, %add3A_313, %rem3A_299 : vector<16xi1>, vector<16xi32>
    %mul3A_315 = arith.constant 100000 : i32
    %mul3A_316 = vector.broadcast %mul3A_315 : i32 to vector<16xi32>
    %mul3A_317 = arith.muli %select_n3A_314, %mul3A_316 : vector<16xi32>
    %swap3A_318 = arith.constant 144 : index
    %swap3A_319 = tpu.vector_load %arg9[%swap3A_318] {strides = array<i32>} : memref<208xi32, #tpu.memory_space<vmem>>, vector<16xi32>,
    %swap3A_320 = vector.shape_cast %swap3A_319 : vector<16xi32> to vector<16xi32>
    %swap3A_321 = vector.shape_cast %mul3A_317 : vector<16xi32> to vector<16xi32>
    tpu.vector_store %arg9[%swap3A_318], %swap3A_321 {strides = array<i32>} : memref<208xi32, #tpu.memory_space<vmem>>, vector<16xi32>,
    %iota3A_322 = tpu.iota {dimensions = array<i32: 0>} : vector<16xi32>
    %add3A_323 = arith.constant 160 : i32
    %add3A_324 = vector.broadcast %add3A_323 : i32 to vector<16xi32>
    %add3A_325 = arith.addi %iota3A_322, %add3A_324 : vector<16xi32>
    %jit3A_326 = arith.constant 26 : i32
    %eq3A_327 = arith.constant 0 : i32
    %eq3A_328 = arith.cmpi eq, %jit3A_326, %eq3A_327 : i32
    %jit3A_329 = arith.constant 1 : i32
    %select_n3A_330 = arith.select %eq3A_328, %jit3A_329, %jit3A_326 : i32
    %rem3A_331 = vector.broadcast %select_n3A_330 : i32 to vector<16xi32>
    %rem3A_332 = arith.remsi %add3A_325, %rem3A_331 : vector<16xi32>
    %ne3A_333 = arith.constant 0 : i32
    %ne3A_334 = vector.broadcast %ne3A_333 : i32 to vector<16xi32>
    %ne3A_335 = arith.cmpi ne, %rem3A_332, %ne3A_334 : vector<16xi32>
    %lt3A_336 = arith.constant 0 : i32
    %lt3A_337 = vector.broadcast %lt3A_336 : i32 to vector<16xi32>
    %lt3A_338 = arith.cmpi slt, %rem3A_332, %lt3A_337 : vector<16xi32>
    %lt3A_339 = arith.constant 0 : i32
    %lt3A_340 = arith.cmpi slt, %select_n3A_330, %lt3A_339 : i32
    %ne3A_341 = vector.broadcast %lt3A_340 : i1 to vector<16xi1>
    %ne3A_342 = vector.broadcast %ne3A_341 : vector<16xi1> to vector<16xi1>
    %ne3A_343 = arith.xori %lt3A_338, %ne3A_342 : vector<16xi1>
    %and3A_344 = arith.andi %ne3A_343, %ne3A_335 : vector<16xi1>
    %add3A_345 = vector.broadcast %select_n3A_330 : i32 to vector<16xi32>
    %add3A_346 = arith.addi %rem3A_332, %add3A_345 : vector<16xi32>
    %select_n3A_347 = arith.select %and3A_344, %add3A_346, %rem3A_332 : vector<16xi1>, vector<16xi32>
    %mul3A_348 = arith.constant 100000 : i32
    %mul3A_349 = vector.broadcast %mul3A_348 : i32 to vector<16xi32>
    %mul3A_350 = arith.muli %select_n3A_347, %mul3A_349 : vector<16xi32>
    %swap3A_351 = arith.constant 160 : index
    %swap3A_352 = tpu.vector_load %arg9[%swap3A_351] {strides = array<i32>} : memref<208xi32, #tpu.memory_space<vmem>>, vector<16xi32>,
    %swap3A_353 = vector.shape_cast %swap3A_352 : vector<16xi32> to vector<16xi32>
    %swap3A_354 = vector.shape_cast %mul3A_350 : vector<16xi32> to vector<16xi32>
    tpu.vector_store %arg9[%swap3A_351], %swap3A_354 {strides = array<i32>} : memref<208xi32, #tpu.memory_space<vmem>>, vector<16xi32>,
    %iota3A_355 = tpu.iota {dimensions = array<i32: 0>} : vector<16xi32>
    %add3A_356 = arith.constant 176 : i32
    %add3A_357 = vector.broadcast %add3A_356 : i32 to vector<16xi32>
    %add3A_358 = arith.addi %iota3A_355, %add3A_357 : vector<16xi32>
    %jit3A_359 = arith.constant 26 : i32
    %eq3A_360 = arith.constant 0 : i32
    %eq3A_361 = arith.cmpi eq, %jit3A_359, %eq3A_360 : i32
    %jit3A_362 = arith.constant 1 : i32
    %select_n3A_363 = arith.select %eq3A_361, %jit3A_362, %jit3A_359 : i32
    %rem3A_364 = vector.broadcast %select_n3A_363 : i32 to vector<16xi32>
    %rem3A_365 = arith.remsi %add3A_358, %rem3A_364 : vector<16xi32>
    %ne3A_366 = arith.constant 0 : i32
    %ne3A_367 = vector.broadcast %ne3A_366 : i32 to vector<16xi32>
    %ne3A_368 = arith.cmpi ne, %rem3A_365, %ne3A_367 : vector<16xi32>
    %lt3A_369 = arith.constant 0 : i32
    %lt3A_370 = vector.broadcast %lt3A_369 : i32 to vector<16xi32>
    %lt3A_371 = arith.cmpi slt, %rem3A_365, %lt3A_370 : vector<16xi32>
    %lt3A_372 = arith.constant 0 : i32
    %lt3A_373 = arith.cmpi slt, %select_n3A_363, %lt3A_372 : i32
    %ne3A_374 = vector.broadcast %lt3A_373 : i1 to vector<16xi1>
    %ne3A_375 = vector.broadcast %ne3A_374 : vector<16xi1> to vector<16xi1>
    %ne3A_376 = arith.xori %lt3A_371, %ne3A_375 : vector<16xi1>
    %and3A_377 = arith.andi %ne3A_376, %ne3A_368 : vector<16xi1>
    %add3A_378 = vector.broadcast %select_n3A_363 : i32 to vector<16xi32>
    %add3A_379 = arith.addi %rem3A_365, %add3A_378 : vector<16xi32>
    %select_n3A_380 = arith.select %and3A_377, %add3A_379, %rem3A_365 : vector<16xi1>, vector<16xi32>
    %mul3A_381 = arith.constant 100000 : i32
    %mul3A_382 = vector.broadcast %mul3A_381 : i32 to vector<16xi32>
    %mul3A_383 = arith.muli %select_n3A_380, %mul3A_382 : vector<16xi32>
    %swap3A_384 = arith.constant 176 : index
    %swap3A_385 = tpu.vector_load %arg9[%swap3A_384] {strides = array<i32>} : memref<208xi32, #tpu.memory_space<vmem>>, vector<16xi32>,
    %swap3A_386 = vector.shape_cast %swap3A_385 : vector<16xi32> to vector<16xi32>
    %swap3A_387 = vector.shape_cast %mul3A_383 : vector<16xi32> to vector<16xi32>
    tpu.vector_store %arg9[%swap3A_384], %swap3A_387 {strides = array<i32>} : memref<208xi32, #tpu.memory_space<vmem>>, vector<16xi32>,
    %iota3A_388 = tpu.iota {dimensions = array<i32: 0>} : vector<16xi32>
    %add3A_389 = arith.constant 192 : i32
    %add3A_390 = vector.broadcast %add3A_389 : i32 to vector<16xi32>
    %add3A_391 = arith.addi %iota3A_388, %add3A_390 : vector<16xi32>
    %jit3A_392 = arith.constant 26 : i32
    %eq3A_393 = arith.constant 0 : i32
    %eq3A_394 = arith.cmpi eq, %jit3A_392, %eq3A_393 : i32
    %jit3A_395 = arith.constant 1 : i32
    %select_n3A_396 = arith.select %eq3A_394, %jit3A_395, %jit3A_392 : i32
    %rem3A_397 = vector.broadcast %select_n3A_396 : i32 to vector<16xi32>
    %rem3A_398 = arith.remsi %add3A_391, %rem3A_397 : vector<16xi32>
    %ne3A_399 = arith.constant 0 : i32
    %ne3A_400 = vector.broadcast %ne3A_399 : i32 to vector<16xi32>
    %ne3A_401 = arith.cmpi ne, %rem3A_398, %ne3A_400 : vector<16xi32>
    %lt3A_402 = arith.constant 0 : i32
    %lt3A_403 = vector.broadcast %lt3A_402 : i32 to vector<16xi32>
    %lt3A_404 = arith.cmpi slt, %rem3A_398, %lt3A_403 : vector<16xi32>
    %lt3A_405 = arith.constant 0 : i32
    %lt3A_406 = arith.cmpi slt, %select_n3A_396, %lt3A_405 : i32
    %ne3A_407 = vector.broadcast %lt3A_406 : i1 to vector<16xi1>
    %ne3A_408 = vector.broadcast %ne3A_407 : vector<16xi1> to vector<16xi1>
    %ne3A_409 = arith.xori %lt3A_404, %ne3A_408 : vector<16xi1>
    %and3A_410 = arith.andi %ne3A_409, %ne3A_401 : vector<16xi1>
    %add3A_411 = vector.broadcast %select_n3A_396 : i32 to vector<16xi32>
    %add3A_412 = arith.addi %rem3A_398, %add3A_411 : vector<16xi32>
    %select_n3A_413 = arith.select %and3A_410, %add3A_412, %rem3A_398 : vector<16xi1>, vector<16xi32>
    %mul3A_414 = arith.constant 100000 : i32
    %mul3A_415 = vector.broadcast %mul3A_414 : i32 to vector<16xi32>
    %mul3A_416 = arith.muli %select_n3A_413, %mul3A_415 : vector<16xi32>
    %swap3A_417 = arith.constant 192 : index
    %swap3A_418 = tpu.vector_load %arg9[%swap3A_417] {strides = array<i32>} : memref<208xi32, #tpu.memory_space<vmem>>, vector<16xi32>,
    %swap3A_419 = vector.shape_cast %swap3A_418 : vector<16xi32> to vector<16xi32>
    %swap3A_420 = vector.shape_cast %mul3A_416 : vector<16xi32> to vector<16xi32>
    tpu.vector_store %arg9[%swap3A_417], %swap3A_420 {strides = array<i32>} : memref<208xi32, #tpu.memory_space<vmem>>, vector<16xi32>,
    %scan3A = arith.constant 0 : i32
    %scan3A_421 = arith.constant 0 : i32
    %scan3A_422 = arith.constant 4 : i32
    %scan3A_423 = arith.addi %scan3A_421, %scan3A_422 : i32
    %scan3A_424 = arith.constant 1 : i32
    %scan3A_425 = scf.for %scan3A_427 = %scan3A_421 to %scan3A_423 step %scan3A_424 iter_args(%scan3A_428 = %scan3A) -> (i32)  : i32 {
      %mul3A_429 = arith.constant 512 : i32
      %mul3A_430 = arith.muli %add3A, %mul3A_429 : i32
      %mul3A_431 = arith.constant 128 : i32
      %mul3A_432 = arith.muli %scan3A_427, %mul3A_431 : i32
      %add3A_433 = arith.addi %mul3A_430, %mul3A_432 : i32
      %multiple_of3A = tpu.assume_multiple %add3A_433, 128 : i32
      %mul3A_434 = arith.constant 26 : i32
      %mul3A_435 = arith.muli %multiple_of3A, %mul3A_434 : i32
      %multiple_of3A_436 = tpu.assume_multiple %mul3A_435, 8 : i32
      "tpu.region"() ({
        %run_scoped3A = tpu.sem_alloc : memref<!tpu.dma_semaphore, #tpu.memory_space<semaphore_mem>>
        %dma_start3A_466 = tpu.memref_slice %arg2[%multiple_of3A_436] : memref<425984xi32, #tpu.memory_space<hbm>> -> memref<3328xi32, #tpu.memory_space<hbm>>
        %dma_start3A_467 = tpu.memref_slice %arg2[%multiple_of3A_436] : memref<425984xi32, #tpu.memory_space<hbm>> -> memref<3328xi32, #tpu.memory_space<hbm>>
        tpu.enqueue_dma source(%dma_start3A_467 : memref<3328xi32, #tpu.memory_space<hbm>>) target(%arg8 : memref<3328xi32, #tpu.memory_space<vmem>>) target_semaphore(%run_scoped3A : memref<!tpu.dma_semaphore, #tpu.memory_space<semaphore_mem>>)
        %dma_wait3A_468 = tpu.memref_slice %arg2[%multiple_of3A_436] : memref<425984xi32, #tpu.memory_space<hbm>> -> memref<3328xi32, #tpu.memory_space<hbm>>
        %dma_wait3A_469 = tpu.memref_slice %arg2[%multiple_of3A_436] : memref<425984xi32, #tpu.memory_space<hbm>> -> memref<3328xi32, #tpu.memory_space<hbm>>
        tpu.wait_dma2 semaphore(%run_scoped3A : memref<!tpu.dma_semaphore, #tpu.memory_space<semaphore_mem>>) src(%dma_wait3A_469 : memref<3328xi32, #tpu.memory_space<hbm>>) dst(%arg8 : memref<3328xi32, #tpu.memory_space<vmem>>)
        tpu.yield
      }) : () -> ()
      %mul3A_437 = arith.constant 50 : i32
      %mul3A_438 = arith.muli %multiple_of3A, %mul3A_437 : i32
      %multiple_of3A_439 = tpu.assume_multiple %mul3A_438, 8 : i32
      "tpu.region"() ({
        %run_scoped3A = tpu.sem_alloc : memref<!tpu.dma_semaphore, #tpu.memory_space<semaphore_mem>>
        %dma_start3A_466 = tpu.memref_slice %arg3[%multiple_of3A_439] : memref<819200xi32, #tpu.memory_space<hbm>> -> memref<6400xi32, #tpu.memory_space<hbm>>
        %dma_start3A_467 = tpu.memref_slice %arg3[%multiple_of3A_439] : memref<819200xi32, #tpu.memory_space<hbm>> -> memref<6400xi32, #tpu.memory_space<hbm>>
        tpu.enqueue_dma source(%dma_start3A_467 : memref<6400xi32, #tpu.memory_space<hbm>>) target(%arg10 : memref<6400xi32, #tpu.memory_space<vmem>>) target_semaphore(%run_scoped3A : memref<!tpu.dma_semaphore, #tpu.memory_space<semaphore_mem>>)
        %dma_wait3A_468 = tpu.memref_slice %arg3[%multiple_of3A_439] : memref<819200xi32, #tpu.memory_space<hbm>> -> memref<6400xi32, #tpu.memory_space<hbm>>
        %dma_wait3A_469 = tpu.memref_slice %arg3[%multiple_of3A_439] : memref<819200xi32, #tpu.memory_space<hbm>> -> memref<6400xi32, #tpu.memory_space<hbm>>
        tpu.wait_dma2 semaphore(%run_scoped3A : memref<!tpu.dma_semaphore, #tpu.memory_space<semaphore_mem>>) src(%dma_wait3A_469 : memref<6400xi32, #tpu.memory_space<hbm>>) dst(%arg10 : memref<6400xi32, #tpu.memory_space<vmem>>)
        tpu.yield
      }) : () -> ()
      %scan3A_440 = arith.constant 0 : i32
      %scan3A_441 = arith.constant 0 : i32
      %scan3A_442 = arith.constant 208 : i32
      %scan3A_443 = arith.addi %scan3A_441, %scan3A_442 : i32
      %scan3A_444 = arith.constant 1 : i32
      %scan3A_445 = scf.for %scan3A_466 = %scan3A_441 to %scan3A_443 step %scan3A_444 iter_args(%scan3A_467 = %scan3A_440) -> (i32)  : i32 {
        %jit3A_468 = arith.constant 13 : i32
        %eq3A_469 = arith.constant 0 : i32
        %eq3A_470 = arith.cmpi eq, %jit3A_468, %eq3A_469 : i32
        %jit3A_471 = arith.constant 1 : i32
        %select_n3A_472 = arith.select %eq3A_470, %jit3A_471, %jit3A_468 : i32
        %rem3A_473 = arith.remsi %scan3A_466, %select_n3A_472 : i32
        %ne3A_474 = arith.constant 0 : i32
        %ne3A_475 = arith.cmpi ne, %rem3A_473, %ne3A_474 : i32
        %lt3A_476 = arith.constant 0 : i32
        %lt3A_477 = arith.cmpi slt, %rem3A_473, %lt3A_476 : i32
        %lt3A_478 = arith.constant 0 : i32
        %lt3A_479 = arith.cmpi slt, %select_n3A_472, %lt3A_478 : i32
        %ne3A_480 = arith.xori %lt3A_477, %lt3A_479 : i1
        %and3A_481 = arith.andi %ne3A_480, %ne3A_475 : i1
        %add3A_482 = arith.addi %rem3A_473, %select_n3A_472 : i32
        %select_n3A_483 = arith.select %and3A_481, %add3A_482, %rem3A_473 : i32
        %mul3A_484 = arith.constant 16 : i32
        %mul3A_485 = arith.muli %select_n3A_483, %mul3A_484 : i32
        %mul3A_486 = arith.constant 16 : i32
        %mul3A_487 = arith.muli %scan3A_466, %mul3A_486 : i32
        %get3A = arith.index_cast %mul3A_487 : i32 to index
        %get3A_488 = tpu.vector_load %arg8[%get3A] {strides = array<i32>} : memref<3328xi32, #tpu.memory_space<vmem>>, vector<16xi32>,
        %get3A_489 = vector.shape_cast %get3A_488 : vector<16xi32> to vector<16xi32>
        %get3A_490 = arith.index_cast %mul3A_485 : i32 to index
        %get3A_491 = tpu.vector_load %arg9[%get3A_490] {strides = array<i32>} : memref<208xi32, #tpu.memory_space<vmem>>, vector<16xi32>,
        %get3A_492 = vector.shape_cast %get3A_491 : vector<16xi32> to vector<16xi32>
        %add3A_493 = arith.addi %get3A_489, %get3A_492 : vector<16xi32>
        %mul3A_494 = arith.constant 16 : i32
        %mul3A_495 = arith.muli %scan3A_466, %mul3A_494 : i32
        %swap3A_496 = arith.index_cast %mul3A_495 : i32 to index
        %swap3A_497 = tpu.vector_load %arg8[%swap3A_496] {strides = array<i32>} : memref<3328xi32, #tpu.memory_space<vmem>>, vector<16xi32>,
        %swap3A_498 = vector.shape_cast %swap3A_497 : vector<16xi32> to vector<16xi32>
        %swap3A_499 = vector.shape_cast %add3A_493 : vector<16xi32> to vector<16xi32>
        tpu.vector_store %arg8[%swap3A_496], %swap3A_499 {strides = array<i32>} : memref<3328xi32, #tpu.memory_space<vmem>>, vector<16xi32>,
        %scan3A_500 = arith.constant 0 : i32
        scf.yield %scan3A_500 : i32
      }
      %scan3A_446 = arith.constant 208 : i32
      %dma_start3A = arith.constant 0 : i32
      %dma_start3A_447 = arith.constant 0 : i32
      %dma_start3A_448 = tpu.memref_slice %arg4[%dma_start3A, %dma_start3A_447] : memref<2600000x16xf32, #tpu.memory_space<hbm>> -> memref<2600000x16xf32, #tpu.memory_space<hbm>>
      tpu.enqueue_indirect_dma source(%dma_start3A_448 : memref<2600000x16xf32, #tpu.memory_space<hbm>>) target(%arg12 : memref<3328x16xf32, #tpu.memory_space<vmem>>) offsets(%arg8 : memref<3328xi32, #tpu.memory_space<vmem>>) semaphore(%arg14 : memref<!tpu.dma_semaphore, #tpu.memory_space<semaphore_mem>>)
      %dma_start3A_449 = arith.constant 0 : i32
      %dma_start3A_450 = tpu.memref_slice %arg5[%dma_start3A_449] : memref<1000000xf32, #tpu.memory_space<hbm>> -> memref<1000000xf32, #tpu.memory_space<hbm>>
      tpu.enqueue_indirect_dma source(%dma_start3A_450 : memref<1000000xf32, #tpu.memory_space<hbm>>) target(%arg11 : memref<6400xf32, #tpu.memory_space<vmem>>) offsets(%arg10 : memref<6400xi32, #tpu.memory_space<vmem>>) semaphore(%arg15 : memref<!tpu.dma_semaphore, #tpu.memory_space<semaphore_mem>>)
      %dma_wait3A = arith.constant 0 : i32
      %dma_wait3A_451 = tpu.memref_slice %arg5[%dma_wait3A] : memref<1000000xf32, #tpu.memory_space<hbm>> -> memref<1000000xf32, #tpu.memory_space<hbm>>
      tpu.wait_indirect_dma semaphore(%arg15 : memref<!tpu.dma_semaphore, #tpu.memory_space<semaphore_mem>>) src(%dma_wait3A_451 : memref<1000000xf32, #tpu.memory_space<hbm>>) dst(%arg11 : memref<6400xf32, #tpu.memory_space<vmem>>)
      %scan3A_452 = arith.constant 0 : i32
      %scan3A_453 = arith.constant 0 : i32
      %scan3A_454 = arith.constant 8 : i32
      %scan3A_455 = arith.addi %scan3A_453, %scan3A_454 : i32
      %scan3A_456 = arith.constant 1 : i32
      %scan3A_457 = scf.for %scan3A_466 = %scan3A_453 to %scan3A_455 step %scan3A_456 iter_args(%scan3A_467 = %scan3A_452) -> (i32)  : i32 {
        %broadcast_in_dim3A = arith.constant 0.000000e+00 : f32
        %broadcast_in_dim3A_468 = vector.broadcast %broadcast_in_dim3A : f32 to vector<16xf32>
        %scan3A_469 = arith.constant 0 : i32
        %scan3A_470 = arith.constant 50 : i32
        %scan3A_471 = arith.addi %scan3A_469, %scan3A_470 : i32
        %scan3A_472 = arith.constant 1 : i32
        %scan3A_473 = scf.for %scan3A_485 = %scan3A_469 to %scan3A_471 step %scan3A_472 iter_args(%scan3A_486 = %broadcast_in_dim3A_468) -> (vector<16xf32>)  : i32 {
          %mul3A_487 = arith.constant 128 : i32
          %mul3A_488 = arith.muli %scan3A_485, %mul3A_487 : i32
          %mul3A_489 = arith.constant 16 : i32
          %mul3A_490 = arith.muli %scan3A_466, %mul3A_489 : i32
          %add3A_491 = arith.addi %mul3A_488, %mul3A_490 : i32
          %get3A = arith.index_cast %add3A_491 : i32 to index
          %get3A_492 = tpu.vector_load %arg11[%get3A] {strides = array<i32>} : memref<6400xf32, #tpu.memory_space<vmem>>, vector<16xf32>,
          %get3A_493 = vector.shape_cast %get3A_492 : vector<16xf32> to vector<16xf32>
          %add3A_494 = arith.addf %scan3A_486, %get3A_493 : vector<16xf32>
          scf.yield %add3A_494 : vector<16xf32>
        }
        %scan3A_474 = arith.constant 50 : i32
        %mul3A_475 = arith.constant 0.0196078438 : f32
        %mul3A_476 = vector.broadcast %mul3A_475 : f32 to vector<16xf32>
        %mul3A_477 = arith.mulf %scan3A_473, %mul3A_476 : vector<16xf32>
        %mul3A_478 = arith.constant 16 : i32
        %mul3A_479 = arith.muli %scan3A_466, %mul3A_478 : i32
        %swap3A_480 = arith.index_cast %mul3A_479 : i32 to index
        %swap3A_481 = tpu.vector_load %arg13[%swap3A_480] {strides = array<i32>} : memref<128xf32, #tpu.memory_space<vmem>>, vector<16xf32>,
        %swap3A_482 = vector.shape_cast %swap3A_481 : vector<16xf32> to vector<16xf32>
        %swap3A_483 = vector.shape_cast %mul3A_477 : vector<16xf32> to vector<16xf32>
        tpu.vector_store %arg13[%swap3A_480], %swap3A_483 {strides = array<i32>} : memref<128xf32, #tpu.memory_space<vmem>>, vector<16xf32>,
        %scan3A_484 = arith.constant 0 : i32
        scf.yield %scan3A_484 : i32
      }
      %scan3A_458 = arith.constant 8 : i32
      %multiple_of3A_459 = tpu.assume_multiple %multiple_of3A, 8 : i32
      "tpu.region"() ({
        %run_scoped3A = tpu.sem_alloc : memref<!tpu.dma_semaphore, #tpu.memory_space<semaphore_mem>>
        %dma_start3A_466 = tpu.memref_slice %arg7[%multiple_of3A_459] : memref<16384xf32, #tpu.memory_space<hbm>> -> memref<128xf32, #tpu.memory_space<hbm>>
        %dma_start3A_467 = tpu.memref_slice %arg7[%multiple_of3A_459] : memref<16384xf32, #tpu.memory_space<hbm>> -> memref<128xf32, #tpu.memory_space<hbm>>
        tpu.enqueue_dma source(%arg13 : memref<128xf32, #tpu.memory_space<vmem>>) target(%dma_start3A_467 : memref<128xf32, #tpu.memory_space<hbm>>) target_semaphore(%run_scoped3A : memref<!tpu.dma_semaphore, #tpu.memory_space<semaphore_mem>>)
        %dma_wait3A_468 = tpu.memref_slice %arg7[%multiple_of3A_459] : memref<16384xf32, #tpu.memory_space<hbm>> -> memref<128xf32, #tpu.memory_space<hbm>>
        %dma_wait3A_469 = tpu.memref_slice %arg7[%multiple_of3A_459] : memref<16384xf32, #tpu.memory_space<hbm>> -> memref<128xf32, #tpu.memory_space<hbm>>
        tpu.wait_dma2 semaphore(%run_scoped3A : memref<!tpu.dma_semaphore, #tpu.memory_space<semaphore_mem>>) src(%arg13 : memref<128xf32, #tpu.memory_space<vmem>>) dst(%dma_wait3A_469 : memref<128xf32, #tpu.memory_space<hbm>>)
        tpu.yield
      }) : () -> ()
      %dma_wait3A_460 = arith.constant 0 : i32
      %dma_wait3A_461 = arith.constant 0 : i32
      %dma_wait3A_462 = tpu.memref_slice %arg4[%dma_wait3A_460, %dma_wait3A_461] : memref<2600000x16xf32, #tpu.memory_space<hbm>> -> memref<2600000x16xf32, #tpu.memory_space<hbm>>
      tpu.wait_indirect_dma semaphore(%arg14 : memref<!tpu.dma_semaphore, #tpu.memory_space<semaphore_mem>>) src(%dma_wait3A_462 : memref<2600000x16xf32, #tpu.memory_space<hbm>>) dst(%arg12 : memref<3328x16xf32, #tpu.memory_space<vmem>>)
      %mul3A_463 = arith.constant 26 : i32
      %mul3A_464 = arith.muli %multiple_of3A, %mul3A_463 : i32
      "tpu.region"() ({
        %run_scoped3A = tpu.sem_alloc : memref<!tpu.dma_semaphore, #tpu.memory_space<semaphore_mem>>
        %dma_start3A_466 = arith.constant 0 : i32
        %dma_start3A_467 = tpu.memref_slice %arg6[%mul3A_464, %dma_start3A_466] : memref<425984x16xf32, #tpu.memory_space<hbm>> -> memref<3328x16xf32, #tpu.memory_space<hbm>>
        %dma_start3A_468 = arith.constant 0 : i32
        %dma_start3A_469 = tpu.memref_slice %arg6[%mul3A_464, %dma_start3A_468] : memref<425984x16xf32, #tpu.memory_space<hbm>> -> memref<3328x16xf32, #tpu.memory_space<hbm>>
        tpu.enqueue_dma source(%arg12 : memref<3328x16xf32, #tpu.memory_space<vmem>>) target(%dma_start3A_469 : memref<3328x16xf32, #tpu.memory_space<hbm>>) target_semaphore(%run_scoped3A : memref<!tpu.dma_semaphore, #tpu.memory_space<semaphore_mem>>)
        %dma_wait3A_470 = arith.constant 0 : i32
        %dma_wait3A_471 = tpu.memref_slice %arg6[%mul3A_464, %dma_wait3A_470] : memref<425984x16xf32, #tpu.memory_space<hbm>> -> memref<3328x16xf32, #tpu.memory_space<hbm>>
        %dma_wait3A_472 = arith.constant 0 : i32
        %dma_wait3A_473 = tpu.memref_slice %arg6[%mul3A_464, %dma_wait3A_472] : memref<425984x16xf32, #tpu.memory_space<hbm>> -> memref<3328x16xf32, #tpu.memory_space<hbm>>
        tpu.wait_dma2 semaphore(%run_scoped3A : memref<!tpu.dma_semaphore, #tpu.memory_space<semaphore_mem>>) src(%arg12 : memref<3328x16xf32, #tpu.memory_space<vmem>>) dst(%dma_wait3A_473 : memref<3328x16xf32, #tpu.memory_space<hbm>>)
        tpu.yield
      }) : () -> ()
      %scan3A_465 = arith.constant 0 : i32
      scf.yield %scan3A_465 : i32
    }
    %scan3A_426 = arith.constant 4 : i32
    return
  }
}

</mosaic_0001>

<sc_bundles>
// kernel: _sc_gather.3.cloned.1.call-start
scs
__scs_entry_jumppad:
0x0: {  	(pc) =	sbr.rel $0x88, $3  }
0x1: {  	(tag) =	ssettag $0x0;
	lr =	simm.s32 $0x1  }
0x2: {  	[smem:$0x3F9D] =	sst lr;
	_ =	strace $0xD0000000  }
0x3: {  	_ = 	snop  }
0x4: {  	_ = 	snop  }
0x5: {  	_ = 	snop  }
0x6: {  	_ = 	snop  }
0x7: {  	_ = 	snop  }
__scs_overlays_trampoline_lowered:
0x8: {  	[smem:$0x3FAC] =	sst s0  }
0x9: {  	[smem:$0x3FAD] =	sst s1  }
0xa: {  	[smem:$0x3FAE] =	sst s2  }
0xb: {  	[smem:$0x3FAF] =	sst s3  }
0xc: {  	[smem:$0x3FB0] =	sst s4  }
0xd: {  	[smem:$0x3FB1] =	sst s5  }
0xe: {  	[smem:$0x3FB2] =	sst s6  }
0xf: {  	[smem:$0x3FB3] =	sst s7  }
0x10: {  	[smem:$0x3FB4] =	sst s8  }
0x11: {  	[smem:$0x3FB5] =	sst s9;
	s0 =	simm.s32 @!p0 $0x0  }
0x12: {  	s1 =	sld [smem:$0x3F9B];
	s0 =	simm.s32 @p0 $0x1  }
0x13: {  	[smem:$0x3FB6] =	sst s0;
	s0 =	simm.s32 @!p1 $0x0  }
0x14: {  	s2 =	sld [smem:$0x3F9A];
	s0 =	simm.s32 @p1 $0x1  }
0x15: {  	[smem:$0x3FB7] =	sst s0;
	s0 =	simm.s32 @!p2 $0x0  }
0x16: {  	s3 =	sld [smem:$0x3FDB];
	s0 =	simm.s32 @p2 $0x1  }
0x17: {  	s4 =	simm.s32 $0x1BF5;
	[smem:$0x3FB9] =	sst s0  }
0x18: {  	s0 =	sld [smem:$0x3F9C];
	_ =	swait.ge [sflag:s4], $0x0  }
0x19: {  	s7 =	sld [smem:$0x3F9D]  }
0x1a: {  	s8 =	sadd.s32 $0xFFFFE003, lr  }
0x1b: {  	s9 =	sadd.s32 $0xFFFFFEF7, lr;
	s5 =	simm.s32 $0xFFFFFFFF;
	p2 =	slt.u32 s8, $0xFFFFF086  }
0x1c: {  	p1 =	slt.u32 s9, $0xF7A;
	s5 =	simm.s32 @!p2 $0x0  }
0x1d: {  	s5 =	simm.s32 @p1 $0x1;
	p0 =	seq.s32 s7, s2  }
0x1e: {  	s7 =	smul.u32 @!p0 $0xF7A, s2;
	p2 =	seq.s32 @!p0 s5, $0x0  }
0x1f: {  	s9 =	smul.u32 $0xF7A, s1;
	s8 =	simm.s32 @!p0 $0x1BF5;
	p2 =	por !p2, p0  }
0x20: {  	[sflag:s8] =	ssyncset.s32 @!p0 $0xFFFFF086;
	s6 =	sadd.s32 @!p0 s3, s7;
	s7 =	simm.s32 @!p0 $0x108  }
0x21: {  	s3 =	sadd.s32 s3, s9;
	s6 =	sadd.s32 @!p0 $0x88, s6;
	s7 =	simm.s32 @p2 $0x1082  }
0x22: {  	[simem:s7], [sflag:s8] =	dma.local @!p0 [hbm:s6], $0xF7A  }
0x23: {  	s9 =	sor.u32 $0xD0000000, s2;
	s6 =	simm.s32 $0x108;
	_ =	swait.ge @!p0 [sflag:s8], $0x0  }
0x24: {  	s3 =	sadd.s32 $0x88, s3;
	s6 =	simm.s32 @!p1 $0x1082;
	[sflag:s4] =	ssyncset.s32 $0xFFFFF086  }
0x25: {  	[simem:s6], [sflag:s4] =	dma.local [hbm:s3], $0xF7A  }
0x26: {  	[smem:$0x3F9D] =	sst s1;
	(tag) =	ssettag s2;
	_ =	strace s9  }
0x27: {  	s1 =	sld [smem:$0x3FAD]  }
0x28: {  	s2 =	sld [smem:$0x3FAE]  }
0x29: {  	s4 =	sld [smem:$0x3FB0]  }
0x2a: {  	p0 =	seq.s32 s5, $0x0;
	s5 =	sld [smem:$0x3FB1]  }
0x2b: {  	s6 =	sld [smem:$0x3FB2]  }
0x2c: {  	s7 =	sld [smem:$0x3FB3]  }
0x2d: {  	s3 =	simm.s32 $0x108;
	s8 =	sld [smem:$0x3FB4]  }
0x2e: {  	s3 =	simm.s32 @!p0 $0x1082;
	s9 =	sld [smem:$0x3FB5]  }
0x2f: {  	lr =	sadd.s32 s0, s3;
	s0 =	sld [smem:$0x3FAC]  }
0x30: {  	s3 =	sld [smem:$0x3FAF]  }
0x31: {  	[smem:$0x3FB8] =	sst s10  }
0x32: {  	s10 =	sld [smem:$0x3FB6];
	_ =	sdelay $0x3  }
0x33: {  	p0 =	seq.s32 s10, $0x1;
	s10 =	sld [smem:$0x3FB8];
	_ =	sdelay $0x3  }
0x34: {  	[smem:$0x3FB8] =	sst s10  }
0x35: {  	s10 =	sld [smem:$0x3FB7];
	_ =	sdelay $0x3  }
0x36: {  	p1 =	seq.s32 s10, $0x1;
	s10 =	sld [smem:$0x3FB8];
	_ =	sdelay $0x3  }
0x37: {  	[smem:$0x3FB8] =	sst s10  }
0x38: {  	s10 =	sld [smem:$0x3FB9]  }
0x39: {  	_ = 	snop;
	(pc) =	sbr.ind lr, $3  }
0x3a: {  	_ = 	snop  }
0x3b: {  	_ = 	snop  }
0x3c: {  	p2 =	seq.s32 s10, $0x1;
	s10 =	sld [smem:$0x3FB8]  }
0x3d: {  	_ =	shalt  }
0x3e: {  	_ =	shalt  }
0x3f: {  	_ =	shalt  }
0x40: {  	_ =	shalt  }
0x41: {  	_ =	shalt  }
0x42: {  	_ =	shalt  }
0x43: {  	_ =	shalt  }
0x44: {  	_ =	shalt  }
0x45: {  	_ =	shalt  }
0x46: {  	_ =	shalt  }
0x47: {  	_ =	shalt  }
0x48: {  	_ =	shalt  }
0x49: {  	_ =	shalt  }
0x4a: {  	_ =	shalt  }
0x4b: {  	_ =	shalt  }
0x4c: {  	_ =	shalt  }
0x4d: {  	_ =	shalt  }
0x4e: {  	_ =	shalt  }
0x4f: {  	_ =	shalt  }
0x50: {  	_ =	shalt  }
0x51: {  	_ =	shalt  }
0x52: {  	_ =	shalt  }
0x53: {  	_ =	shalt  }
0x54: {  	_ =	shalt  }
0x55: {  	_ =	shalt  }
0x56: {  	_ =	shalt  }
0x57: {  	_ =	shalt  }
0x58: {  	_ =	shalt  }
0x59: {  	_ =	shalt  }
0x5a: {  	_ =	shalt  }
0x5b: {  	_ =	shalt  }
0x5c: {  	_ =	shalt  }
0x5d: {  	_ =	shalt  }
0x5e: {  	_ =	shalt  }
0x5f: {  	_ =	shalt  }
0x60: {  	_ =	shalt  }
0x61: {  	_ =	shalt  }
0x62: {  	_ =	shalt  }
0x63: {  	_ =	shalt  }
0x64: {  	_ =	shalt  }
0x65: {  	_ =	shalt  }
0x66: {  	_ =	shalt  }
0x67: {  	_ =	shalt  }
0x68: {  	_ =	shalt  }
0x69: {  	_ =	shalt  }
0x6a: {  	_ =	shalt  }
0x6b: {  	_ =	shalt  }
0x6c: {  	_ =	shalt  }
0x6d: {  	_ =	shalt  }
0x6e: {  	_ =	shalt  }
0x6f: {  	_ =	shalt  }
0x70: {  	_ =	shalt  }
0x71: {  	_ =	shalt  }
0x72: {  	_ =	shalt  }
0x73: {  	_ =	shalt  }
0x74: {  	_ =	shalt  }
0x75: {  	_ =	shalt  }
0x76: {  	_ =	shalt  }
0x77: {  	_ =	shalt  }
0x78: {  	_ =	shalt  }
0x79: {  	_ =	shalt  }
0x7a: {  	_ =	shalt  }
0x7b: {  	_ =	shalt  }
0x7c: {  	_ =	shalt  }
0x7d: {  	_ =	shalt  }
0x7e: {  	_ =	shalt  }
0x7f: {  	_ =	shalt  }
0x80: {  	_ =	shalt  }
0x81: {  	_ =	shalt  }
0x82: {  	_ =	shalt  }
0x83: {  	_ =	shalt  }
0x84: {  	_ =	shalt  }
0x85: {  	_ =	shalt  }
0x86: {  	_ =	shalt  }
0x87: {  	_ =	shalt  }
.Lfunc_end0:
.L_simem_size_0:
called_computation_lowered:
.L_overlay_start_0:
0x88: {  	s2 =	sld [smem:$0x3FD9]  }
0x89: {  	s3 =	sld [smem:$0x3FFE];
	_ =	sdelay $0x1  }
0x8a: {  	s1 =	srdreg.scid  }
0x8b: {  	s0 =	sand.u32 $0x1, s1  }
0x8c: {  	s14 =	sshll.u32 s0, $0xA;
	s2 =	sadd.s32 s3, s2  }
0x8d: {  	s2 =	sadd.s32 s2, s14  }
0x8e: {  	[smem:$0x3FC4] =	sst s2  }
0x8f: {  	_ = 	snop  }
0x90: {  	s2 =	sld [smem:$0x3FD0]  }
0x91: {  	s15 =	sld [smem:$0x3FC9]  }
0x92: {  	s4 =	sld [smem:$0x3FC8]  }
0x93: {  	s6 =	simm.s32 $0xA;
	s7 =	simm.s32 $0x10;
	s5 =	sld [smem:$0x3FC6]  }
0x94: {  	[smem:s7], [sflag:s6] =	dma.local [hbm:s2], $0x1  }
0x95: {  	_ =	swait.eq [sflag:s6], $0x1  }
0x96: {  	[sflag:s6] =	ssyncset.done $0x0  }
0x97: {  	s16 =	sld [smem:$0x10];
	[sflag:s6] =	ssyncadd.s32 $0xFFFFFFFF  }
0x98: {  	s17 =	sld [smem:$0x11];
	(tm) =	ssettm $0x1  }
0x99: {  	s18 =	sld [smem:$0x3FFB];
	_ =	sdelay $0x3  }
0x9a: {  	_ =	strace s18  }
0x9b: {  	s7 =	sld [smem:$0x3FFC];
	_ =	sdelay $0x3  }
0x9c: {  	_ =	strace s7  }
0x9d: {  	s7 =	sld [smem:$0x3FFD];
	_ =	sdelay $0x3  }
0x9e: {  	_ =	strace s7  }
0x9f: {  	_ =	strace $0x8FFFFFFF  }
0xa0: {  	s19 =	sld [smem:$0x3FDB];
	_ =	sdelay $0x1  }
0xa1: {  	s8 =	simm.s32 $_scs_section_size  }
0xa2: {  	s9 =	simm.s32 $_size__tile_overlayer_lowered;
	s10 =	simm.s32 $_tile_overlayer_lowered  }
0xa3: {  	s22 =	simm.s32 $0x1BFF;
	s21 =	sshll.u32 s10, $0x1;
	s7 =	sadd.s32 s8, s19  }
0xa4: {  	s11 =	simm.s32 $0x0;
	s20 =	sshll.u32 s9, $0x1;
	s9 =	sadd.s32 s21, s7  }
0xa5: {  	[timem:s11], [sflag:s22] =	dma.local [hbm:s9], s20  }
0xa6: {  	_ =	swait.ge [sflag:s22], s20  }
0xa7: {  	s8 =	ssub.s32 $0x0, s20;
	[sflag:s22] =	ssyncset.done $0x0  }
0xa8: {  	[sflag:s22] =	ssyncadd.s32 s8;
	_ =	sdelay $0x1  }
0xa9: {  	s23 =	simm.s32 $0x1B8B  }
0xaa: {  	_ =	swait.ge [sflag:s23], $0x1  }
0xab: {  	[sflag:s23] =	ssyncset.done $0x0  }
0xac: {  	s25 =	simm.s32 $0x1B8E;
	s24 =	sld [smem:$0x3FFE];
	[sflag:s23] =	ssyncadd.s32 $0xFFFFFFFF  }
0xad: {  	s26 =	simm.s32 $execute0_lowered;
	[smem:$0x3FD2] =	sst s25  }
0xae: {  	s9 =	sshll.u32 s26, $0x1;
	_ =	strace $0x80000046;
	[dreg:$0x1] =	wrdreg $0xFFFFFFFF  }
0xaf: {  	s28 =	simm.s32 $_size_execute0_lowered;
	s7 =	sadd.s32 s7, s9;
	[dreg:$0x0] =	wrdreg $0x0  }
0xb0: {  	s9 =	sshll.u32 s28, $0x1;
	[dreg:$0x2] =	wrdreg s7  }
0xb1: {  	[dreg:$0x3] =	wrdreg s9  }
0xb2: {  	[dreg:$0x4] =	wrdreg $0xC0  }
0xb3: {  	_ =	task [dreg:s11], $0x5FFFF  }
0xb4: {  	[dreg:$0x1] =	wrdreg $0xFFFFFFFF  }
0xb5: {  	[dreg:$0x0] =	wrdreg $0x60  }
0xb6: {  	[dreg:$0x2] =	wrdreg s15  }
0xb7: {  	[dreg:$0x3] =	wrdreg s4  }
0xb8: {  	[dreg:$0x4] =	wrdreg s24  }
0xb9: {  	[dreg:$0x5] =	wrdreg s5  }
0xba: {  	[dreg:$0x6] =	wrdreg s16  }
0xbb: {  	[dreg:$0x7] =	wrdreg s17  }
0xbc: {  	[dreg:$0x8] =	wrdreg $0x9  }
0xbd: {  	_ =	task.clear_ibuf [dreg:s11], $0x9FFFF;
	_ =	strace $0x90000046  }
0xbe: {  	s29 =	simm.s32 $0x9;
	_ =	strace $0x80000048  }
0xbf: {  	_ =	swait.ge [sflag:s29], $0x1  }
0xc0: {  	[sflag:s29] =	ssyncadd.s32 $0xFFFFFFFF  }
0xc1: {  	_ =	strace $0x90000048  }
0xc2: {  	_ =	sfence  }
0xc3: {  	s30 =	sld [smem:$0x0];
	_ =	sdelay $0x2  }
0xc4: {  	s31 =	sshll.u32 s1, $0xD;
	s1 =	sshrl.u32 s1, $0x2  }
0xc5: {  	s3 =	sand.u32 $0x4000, s31;
	s1 =	sadd.s32 s1, s30  }
0xc6: {  	s0 =	sor.u32 s3, s0;
	s1 =	sshll.u32 s1, $0x11  }
0xc7: {  	s0 =	sor.u32 s1, s0  }
0xc8: {  	s0 =	sadd.s32 $0x8F2B, s0  }
0xc9: {  	[sflag:s0] =	ssyncadd.remote.s32 $0x1  }
0xca: {  	_ =	sfence.sel $0xFFFF  }
0xcb: {  	[dreg:$0x0] =	wrdreg $0xFFFFFFFF;
	(pc) =	sbr.abs _section_cstart, $3  }
0xcc: {  	[dreg:$0x1] =	wrdreg $0xFFFFFFFF  }
0xcd: {  	_ =	task.clear_ibuf [dreg:s11], $0x2FFFF;
	_ =	strace $0x9FFFFFFF  }
0xce: {  	(tm) =	ssettm $0x7FFFFFFF  }
0xcf: {  	_ =	shalt  }
tec
execute0_lowered:
.L_overlay_start_1:
0x0: {  	(tag) =	ssettag $0x1  }
0x1: {  	vm14 =	vcmask $0x300;
	v0 =	vimm.s32 $0x7A120  }
0x2: {  	vm13 =	vcmask $0x704;
	vm12 =	vcmask $0xB08;
	vm11 =	vcmask $0xF0C  }
0x3: {  	vm10 =	vcmask $0x1310;
	vm9 =	vcmask $0x1714;
	vm8 =	vcmask $0x1B18  }
0x4: {  	vm7 =	vcmask $0x1F1C;
	vm6 =	vcmask $0x2320;
	vm5 =	vcmask $0x2724  }
0x5: {  	vm4 =	vcmask $0x2B28;
	vm3 =	vcmask $0x2F2C;
	vm2 =	vcmask $0x3330  }
0x6: {  	v1 =	vlaneseq.u32;
	vm1 =	vcmask $0x3734;
	vm0 =	vcmask $0x3B38  }
0x7: {  	v3 =	vimm.s32 $0x10C8E0;
	v4 =	vimm.s32 $0x186A0;
	v5 =	vimm.s32 $0xAAE60  }
0x8: {  	v7 =	vimm.s32 $0x13D620;
	v8 =	vimm.s32 $0x493E0;
	v9 =	vimm.s32 $0xDBBA0  }
0x9: {  	v0 =	vsel vm14, $0x186A00, v0;
	v3 =	vsel vm14, $0x2191C0, v3;
	v4 =	vsel vm14, $0x124F80, v4  }
0xa: {  	v5 =	vsel vm14, $0x1B7740, v5;
	v7 =	vsel vm14, $0x249F00, v7;
	v8 =	vsel vm14, $0x155CC0, v8  }
0xb: {  	v9 =	vsel vm14, $0x1E8480, v9;
	v0 =	vsel vm13, $0x19F0A0, v0;
	v3 =	vsel vm13, $0x231860, v3  }
0xc: {  	v4 =	vsel vm13, $0x13D620, v4;
	v5 =	vsel vm13, $0x1CFDE0, v5;
	v7 =	vsel vm13, $0x2625A0, v7  }
0xd: {  	v8 =	vsel vm13, $0x16E360, v8;
	v9 =	vsel vm13, $0x200B20, v9;
	v0 =	vsel vm12, $0x1B7740, v0  }
0xe: {  	v3 =	vsel vm12, $0x249F00, v3;
	v4 =	vsel vm12, $0x155CC0, v4;
	v5 =	vsel vm12, $0x1E8480, v5  }
0xf: {  	v7 =	vsel vm12, $0x0, v7;
	v8 =	vsel vm12, $0x186A00, v8;
	v9 =	vsel vm12, $0x2191C0, v9  }
0x10: {  	v0 =	vsel vm11, $0x1CFDE0, v0;
	v3 =	vsel vm11, $0x2625A0, v3;
	v4 =	vsel vm11, $0x16E360, v4  }
0x11: {  	v5 =	vsel vm11, $0x200B20, v5;
	v7 =	vsel vm11, $0x186A0, v7;
	v8 =	vsel vm11, $0x19F0A0, v8  }
0x12: {  	v9 =	vsel vm11, $0x231860, v9;
	v0 =	vsel vm10, $0x1E8480, v0;
	v3 =	vsel vm10, $0x0, v3  }
0x13: {  	v4 =	vsel vm10, $0x186A00, v4;
	v5 =	vsel vm10, $0x2191C0, v5;
	v7 =	vsel vm10, $0x30D40, v7  }
0x14: {  	v8 =	vsel vm10, $0x1B7740, v8;
	v9 =	vsel vm10, $0x249F00, v9;
	v0 =	vsel vm9, $0x200B20, v0  }
0x15: {  	v3 =	vsel vm9, $0x186A0, v3;
	v4 =	vsel vm9, $0x19F0A0, v4;
	v5 =	vsel vm9, $0x231860, v5  }
0x16: {  	v7 =	vsel vm9, $0x493E0, v7;
	v8 =	vsel vm9, $0x1CFDE0, v8;
	v9 =	vsel vm9, $0x2625A0, v9  }
0x17: {  	v0 =	vsel vm8, $0x2191C0, v0;
	v3 =	vsel vm8, $0x30D40, v3;
	v4 =	vsel vm8, $0x1B7740, v4  }
0x18: {  	v5 =	vsel vm8, $0x249F00, v5;
	v7 =	vsel vm8, $0x61A80, v7;
	v8 =	vsel vm8, $0x1E8480, v8  }
0x19: {  	v9 =	vsel vm8, $0x0, v9;
	v0 =	vsel vm7, $0x231860, v0;
	v3 =	vsel vm7, $0x493E0, v3  }
0x1a: {  	v4 =	vsel vm7, $0x1CFDE0, v4;
	v5 =	vsel vm7, $0x2625A0, v5;
	v7 =	vsel vm7, $0x7A120, v7  }
0x1b: {  	v8 =	vsel vm7, $0x200B20, v8;
	v9 =	vsel vm7, $0x186A0, v9;
	v0 =	vsel vm6, $0x249F00, v0  }
0x1c: {  	v3 =	vsel vm6, $0x61A80, v3;
	v4 =	vsel vm6, $0x1E8480, v4;
	v5 =	vsel vm6, $0x0, v5  }
0x1d: {  	v7 =	vsel vm6, $0x927C0, v7;
	v8 =	vsel vm6, $0x2191C0, v8;
	v9 =	vsel vm6, $0x30D40, v9  }
0x1e: {  	v0 =	vsel vm5, $0x2625A0, v0;
	v3 =	vsel vm5, $0x7A120, v3;
	v4 =	vsel vm5, $0x200B20, v4  }
0x1f: {  	s0 =	rddreg [dreg:$0x0];
	v5 =	vsel vm5, $0x186A0, v5;
	v7 =	vsel vm5, $0xAAE60, v7;
	v8 =	vsel vm5, $0x231860, v8  }
0x20: {  	s1 =	rddreg [dreg:$0x1];
	v9 =	vsel vm5, $0x493E0, v9;
	v0 =	vsel vm4, $0x0, v0;
	v3 =	vsel vm4, $0x927C0, v3  }
0x21: {  	s7 =	rddreg [dreg:$0x2];
	v4 =	vsel vm4, $0x2191C0, v4;
	v5 =	vsel vm4, $0x30D40, v5;
	v7 =	vsel vm4, $0xC3500, v7  }
0x22: {  	s2 =	rddreg [dreg:$0x3];
	v8 =	vsel vm4, $0x249F00, v8;
	v9 =	vsel vm4, $0x61A80, v9;
	v0 =	vsel vm3, $0x186A0, v0  }
0x23: {  	s3 =	rddreg [dreg:$0x4];
	v3 =	vsel vm3, $0xAAE60, v3;
	v4 =	vsel vm3, $0x231860, v4;
	v5 =	vsel vm3, $0x493E0, v5  }
0x24: {  	s5 =	rddreg [dreg:$0x5];
	v7 =	vsel vm3, $0xDBBA0, v7;
	v8 =	vsel vm3, $0x2625A0, v8;
	v9 =	vsel vm3, $0x7A120, v9  }
0x25: {  	s4 =	rddreg [dreg:$0x6];
	v2 =	vsel vm2, $0x30D40, v0;
	v0 =	vmul.u32 $0x186A0, v1;
	v3 =	vsel vm2, $0xC3500, v3  }
0x26: {  	s6 =	simm.s32 $0x0;
	s8 =	srdreg.scid;
	s12 =	simm.s32 $0xDD0;
	v4 =	vsel vm2, $0x249F00, v4;
	v6 =	vsel vm2, $0x61A80, v5;
	v7 =	vsel vm2, $0xF4240, v7  }
0x27: {  	s13 =	simm.s32 $0xD00;
	s14 =	simm.s32 $0x3FD0;
	s15 =	simm.s32 $0x1900;
	v8 =	vsel vm2, $0x0, v8;
	v12 =	vsel vm2, $0x927C0, v9;
	v1 =	vsel vm1, $0x493E0, v2  }
0x28: {  	s16 =	simm.s32 $0x26D0;
	s17 =	simm.s32 $0x2;
	s18 =	simm.s32 $0x10FD0;
	v3 =	vsel vm1, $0xDBBA0, v3;
	v4 =	vsel vm1, $0x2625A0, v4;
	v6 =	vsel vm1, $0x7A120, v6  }
0x29: {  	s19 =	simm.s32 $0x1;
	s20 =	simm.s32 $0x0;
	s9 =	sand.u32 $0x1, s8;
	v10 =	vsel vm1, $0x10C8E0, v7;
	v11 =	vsel vm1, $0x186A0, v8;
	v1 =	vsel vm0, $0x61A80, v1  }
0x2a: {  	[smem:$0x7FF] =	sst s6;
	s8 =	sadd.s32 $0x27ACC00, s7;
	s10 =	ssub.s32 $0x2, s9;
	v2 =	vadd.s32 $0x927C0, v0;
	v3 =	vsel vm0, $0xF4240, v3;
	v4 =	vsel vm0, $0x0, v4  }
0x2b: {  	s7 =	stileid.u32;
	_ =	strace $0x80000047;
	s11 =	sshrl.u32 s10, $0x1;
	v5 =	vadd.s32 $0x30D40, v0;
	v6 =	vsel vm0, $0x927C0, v6;
	v7 =	vadd.s32 $0xC3500, v0  }
0x2c: {  	s31 =	sshll.u32 s7, $0xA;
	s9 =	sshll.u32 s9, $0x9;
	s10 =	ssub.s32 s10, s11;
	v8 =	vsel vm0, $0x124F80, v10;
	v9 =	vsel vm0, $0x30D40, v11;
	v11 =	vsel vm1, $0xAAE60, v12  }
0x2d: {  	s9 =	sor.u32 s9, s31;
	s11 =	simm.s32 $0x3;
	s10 =	smax.u32 s10, $0x1;
	v10 =	vadd.s32 $0x61A80, v0;
	v12 =	vadd.s32 $0xF4240, v0;
	v11 =	vsel vm0, $0xC3500, v11  }
.LBB2_1:
0x2e: {  	[tilespmem:$0xD00] =	vst v0  }
0x2f: {  	[tilespmem:$0xD10] =	vst v1  }
0x30: {  	[tilespmem:$0xD20] =	vst v2  }
0x31: {  	[tilespmem:$0xD30] =	vst v3  }
0x32: {  	[tilespmem:$0xD40] =	vst v4  }
0x33: {  	[tilespmem:$0xD50] =	vst v5  }
0x34: {  	[tilespmem:$0xD60] =	vst v6  }
0x35: {  	[tilespmem:$0xD70] =	vst v7  }
0x36: {  	[tilespmem:$0xD80] =	vst v8  }
0x37: {  	[tilespmem:$0xD90] =	vst v9  }
0x38: {  	[tilespmem:$0xDA0] =	vst v10  }
0x39: {  	[tilespmem:$0xDB0] =	vst v11  }
0x3a: {  	[tilespmem:$0xDC0] =	vst v12;
	s21 =	simm.s32 $0x0  }
.LBB2_2:
0x3b: {  	s22 =	sshll.u32 s21, $0x7  }
0x3c: {  	s22 =	sadd.s32 s9, s22  }
0x3d: {  	s23 =	smul.u32 $0x1A, s22;
	_ =	sdelay $0x1  }
0x3e: {  	s23 =	sshrl.u32 s23, $0x3  }
0x3f: {  	s29 =	smul.u32 $0x32, s22;
	s24 =	sadd.s32 s0, s23;
	s23 =	simm.s32 $0x0  }
0x40: {  	[tilespmem:s23], [sflag:$0x3] =	stream.linear.gather [hbm4b:s24+s23], $0xD00, $0x38;
	[tilespmem:$0x11050] =	vst v63  }
0x41: {  	s25 =	smul.u32 $0x4F, s23  }
0x42: {  	_ =	swait.ge [sflag:s11], $0xD00  }
0x43: {  	s24 =	sshrl.u32 s29, $0x3;
	[sflag:s11] =	ssyncset.done $0x0;
	s25 =	sshrl.u32 s25, $0xA  }
0x44: {  	s24 =	sadd.s32 s1, s24;
	[sflag:s11] =	ssyncadd.s32 $0xFFFFF300;
	s25 =	smul.u32 $0xD, s25  }
0x45: {  	[tilespmem:s12], [sflag:$0x3] =	stream.linear.gather [hbm4b:s24+s23], $0x1900, $0x38;
	[tilespmem:$0x11050] =	vst v63  }
0x46: {  	_ =	swait.ge [sflag:s11], $0x1900;
	s30 =	ssub.s32 $0x0, s25  }
0x47: {  	[sflag:s11] =	ssyncset.done $0x0;
	s24 =	sand.u32 $0x2F, s30  }
0x48: {  	[sflag:s11] =	ssyncadd.s32 $0xFFFFE700;
	s31 =	sshll.u32 s24, $0x4;
	s24 =	simm.s32 $0x1  }
0x49: {  	v13 =	vld [tilespmem:s31+$0xD00];
	s26 =	smul.u32 $0x4F, s24  }
0x4a: {  	s25 =	simm.s32 $0x2;
	v14 =	vld [tilespmem:s23+$0x0]  }
.LBB2_3:
0x4b: {  	p0 =	sne.s32 s25, $0xCF;
	s26 =	sshrl.u32 s26, $0xA  }
0x4c: {  	s26 =	smul.u32 $0xD, s26;
	_ =	sdelay $0x1  }
.Ltmp0:
0x4d: {  	s26 =	ssub.s32 s24, s26;
	s24 =	smov.u32 s25;
	(pc) =	sbr.rel @p0 .LBB2_3-.Ltmp0, $4  }
0x4e: {  	s26 =	sand.u32 $0x2F, s26;
	v13 =	vadd.s32 v14, v13  }
0x4f: {  	s28 =	sshll.u32 s26, $0x4;
	[tilespmem:s23+$0x0] =	vst v13  }
0x50: {  	s26 =	smul.u32 $0x4F, s25;
	s23 =	sadd.s32 $0x10, s23;
	v13 =	vld [tilespmem:s28+$0xD00]  }
0x51: {  	s25 =	sadd.s32 $0x1, s25;
	v14 =	vld [tilespmem:s23+$0x0]  }
0x52: {  	s25 =	sshrl.u32 s26, $0xA  }
0x53: {  	s25 =	smul.u32 $0xD, s25;
	_ =	sdelay $0x1  }
0x54: {  	s24 =	ssub.s32 s24, s25  }
0x55: {  	s24 =	sand.u32 $0x2F, s24;
	v13 =	vadd.s32 v14, v13  }
0x56: {  	s24 =	sshll.u32 s24, $0x4;
	[tilespmem:s23+$0x0] =	vst v13  }
0x57: {  	s29 =	sadd.s32 $0x10, s23;
	v13 =	vld [tilespmem:s24+$0xD00]  }
0x58: {  	v14 =	vld [tilespmem:s29+$0x0];
	_ =	sdelay $0x4  }
0x59: {  	v13 =	vadd.s32 v14, v13  }
0x5a: {  	s30 =	simm.s32 $0x0;
	[tilespmem:s29+$0x0] =	vst v13  }
0x5b: {  	[tilespmem:s14], [sflag:$0x1] =	stream.indirect.gather [hbm4b:s8+s13], $0x10, s30, s13, $0xb8;
	[tilespmem:$0x11050] =	vst v63  }
0x5c: {  	_ = 	snop  }
0x5d: {  	[tilespmem:s16], [sflag:$0x2] =	stream.indirect.gather [hbm4b:s2+s15], $0x1, s12, s15, $0xb8;
	[tilespmem:$0x11050] =	vst v63  }
0x5e: {  	_ =	swait.ge [sflag:s17], $0x1900  }
0x5f: {  	[sflag:s17] =	ssyncset.done $0x0  }
0x60: {  	s31 =	simm.s32 $0x0;
	[sflag:s17] =	ssyncadd.s32 $0xFFFFE700  }
0x61: {  	s23 =	simm.s32 $0x200;
	v13 =	vimm.f32 $0.0e+00;
	v14 =	vld [tilespmem:s31+$0x26D0]  }
.LBB2_5:
0x62: {  	p0 =	sne.s32 s23, $0x6200  }
.Ltmp1:
0x63: {  	_ = 	snop;
	(pc) =	sbr.rel @p0 .LBB2_5-.Ltmp1, $3  }
0x64: {  	_ =	sdelay $0x1  }
0x65: {  	s24 =	sshra.s32 s23, $0x2;
	s23 =	sadd.s32 $0x200, s23;
	v13 =	vadd.f32 v14, v13  }
0x66: {  	v14 =	vld [tilespmem:s24+$0x26D0]  }
0x67: {  	_ =	sdelay $0x3  }
0x68: {  	v13 =	vadd.f32 v14, v13;
	_ =	sdelay $0x1  }
0x69: {  	v13 =	vmul.f32 $1.960784380e-02, v13;
	_ =	sdelay $0x1  }
0x6a: {  	s24 =	simm.s32 $0x10;
	[tilespmem:$0x10FD0] =	vst v13  }
0x6b: {  	s23 =	simm.s32 $0x240;
	v13 =	vimm.f32 $0.0e+00;
	v14 =	vld [tilespmem:s24+$0x26D0]  }
.LBB2_7:
0x6c: {  	p0 =	sne.s32 s23, $0x6240  }
.Ltmp2:
0x6d: {  	_ = 	snop;
	(pc) =	sbr.rel @p0 .LBB2_7-.Ltmp2, $3  }
0x6e: {  	_ =	sdelay $0x1  }
0x6f: {  	s24 =	sshra.s32 s23, $0x2;
	s23 =	sadd.s32 $0x200, s23;
	v13 =	vadd.f32 v14, v13  }
0x70: {  	v14 =	vld [tilespmem:s24+$0x26D0]  }
0x71: {  	_ =	sdelay $0x3  }
0x72: {  	v13 =	vadd.f32 v14, v13;
	_ =	sdelay $0x1  }
0x73: {  	v13 =	vmul.f32 $1.960784380e-02, v13;
	_ =	sdelay $0x1  }
0x74: {  	s24 =	simm.s32 $0x20;
	[tilespmem:$0x10FE0] =	vst v13  }
0x75: {  	s23 =	simm.s32 $0x280;
	v13 =	vimm.f32 $0.0e+00;
	v14 =	vld [tilespmem:s24+$0x26D0]  }
.LBB2_9:
0x76: {  	p0 =	sne.s32 s23, $0x6280  }
.Ltmp3:
0x77: {  	_ = 	snop;
	(pc) =	sbr.rel @p0 .LBB2_9-.Ltmp3, $3  }
0x78: {  	_ =	sdelay $0x1  }
0x79: {  	s24 =	sshra.s32 s23, $0x2;
	s23 =	sadd.s32 $0x200, s23;
	v13 =	vadd.f32 v14, v13  }
0x7a: {  	v14 =	vld [tilespmem:s24+$0x26D0]  }
0x7b: {  	_ =	sdelay $0x3  }
0x7c: {  	v13 =	vadd.f32 v14, v13;
	_ =	sdelay $0x1  }
0x7d: {  	v13 =	vmul.f32 $1.960784380e-02, v13;
	_ =	sdelay $0x1  }
0x7e: {  	s24 =	simm.s32 $0x30;
	[tilespmem:$0x10FF0] =	vst v13  }
0x7f: {  	s23 =	simm.s32 $0x2C0;
	v13 =	vimm.f32 $0.0e+00;
	v14 =	vld [tilespmem:s24+$0x26D0]  }
.LBB2_11:
0x80: {  	p0 =	sne.s32 s23, $0x62C0  }
.Ltmp4:
0x81: {  	_ = 	snop;
	(pc) =	sbr.rel @p0 .LBB2_11-.Ltmp4, $3  }
0x82: {  	_ =	sdelay $0x1  }
0x83: {  	s24 =	sshra.s32 s23, $0x2;
	s23 =	sadd.s32 $0x200, s23;
	v13 =	vadd.f32 v14, v13  }
0x84: {  	v14 =	vld [tilespmem:s24+$0x26D0]  }
0x85: {  	_ =	sdelay $0x3  }
0x86: {  	v13 =	vadd.f32 v14, v13;
	_ =	sdelay $0x1  }
0x87: {  	v13 =	vmul.f32 $1.960784380e-02, v13;
	_ =	sdelay $0x1  }
0x88: {  	s24 =	simm.s32 $0x40;
	[tilespmem:$0x11000] =	vst v13  }
0x89: {  	s23 =	simm.s32 $0x300;
	v13 =	vimm.f32 $0.0e+00;
	v14 =	vld [tilespmem:s24+$0x26D0]  }
.LBB2_13:
0x8a: {  	p0 =	sne.s32 s23, $0x6300  }
.Ltmp5:
0x8b: {  	_ = 	snop;
	(pc) =	sbr.rel @p0 .LBB2_13-.Ltmp5, $3  }
0x8c: {  	_ =	sdelay $0x1  }
0x8d: {  	s24 =	sshra.s32 s23, $0x2;
	s23 =	sadd.s32 $0x200, s23;
	v13 =	vadd.f32 v14, v13  }
0x8e: {  	v14 =	vld [tilespmem:s24+$0x26D0]  }
0x8f: {  	_ =	sdelay $0x3  }
0x90: {  	v13 =	vadd.f32 v14, v13;
	_ =	sdelay $0x1  }
0x91: {  	v13 =	vmul.f32 $1.960784380e-02, v13;
	_ =	sdelay $0x1  }
0x92: {  	s24 =	simm.s32 $0x50;
	[tilespmem:$0x11010] =	vst v13  }
0x93: {  	s23 =	simm.s32 $0x340;
	v13 =	vimm.f32 $0.0e+00;
	v14 =	vld [tilespmem:s24+$0x26D0]  }
.LBB2_15:
0x94: {  	p0 =	sne.s32 s23, $0x6340  }
.Ltmp6:
0x95: {  	_ = 	snop;
	(pc) =	sbr.rel @p0 .LBB2_15-.Ltmp6, $3  }
0x96: {  	_ =	sdelay $0x1  }
0x97: {  	s24 =	sshra.s32 s23, $0x2;
	s23 =	sadd.s32 $0x200, s23;
	v13 =	vadd.f32 v14, v13  }
0x98: {  	v14 =	vld [tilespmem:s24+$0x26D0]  }
0x99: {  	_ =	sdelay $0x3  }
0x9a: {  	v13 =	vadd.f32 v14, v13;
	_ =	sdelay $0x1  }
0x9b: {  	v13 =	vmul.f32 $1.960784380e-02, v13;
	_ =	sdelay $0x1  }
0x9c: {  	s24 =	simm.s32 $0x60;
	[tilespmem:$0x11020] =	vst v13  }
0x9d: {  	s23 =	simm.s32 $0x380;
	v13 =	vimm.f32 $0.0e+00;
	v14 =	vld [tilespmem:s24+$0x26D0]  }
.LBB2_17:
0x9e: {  	p0 =	sne.s32 s23, $0x6380  }
.Ltmp7:
0x9f: {  	_ = 	snop;
	(pc) =	sbr.rel @p0 .LBB2_17-.Ltmp7, $3  }
0xa0: {  	_ =	sdelay $0x1  }
0xa1: {  	s24 =	sshra.s32 s23, $0x2;
	s23 =	sadd.s32 $0x200, s23;
	v13 =	vadd.f32 v14, v13  }
0xa2: {  	v14 =	vld [tilespmem:s24+$0x26D0]  }
0xa3: {  	_ =	sdelay $0x3  }
0xa4: {  	v13 =	vadd.f32 v14, v13;
	_ =	sdelay $0x1  }
0xa5: {  	v13 =	vmul.f32 $1.960784380e-02, v13;
	_ =	sdelay $0x1  }
0xa6: {  	s24 =	simm.s32 $0x70;
	[tilespmem:$0x11030] =	vst v13  }
0xa7: {  	s23 =	simm.s32 $0x3C0;
	v13 =	vimm.f32 $0.0e+00;
	v14 =	vld [tilespmem:s24+$0x26D0]  }
.LBB2_19:
0xa8: {  	p0 =	sne.s32 s23, $0x63C0  }
.Ltmp8:
0xa9: {  	_ = 	snop;
	(pc) =	sbr.rel @p0 .LBB2_19-.Ltmp8, $3  }
0xaa: {  	_ =	sdelay $0x1  }
0xab: {  	s24 =	sshra.s32 s23, $0x2;
	s23 =	sadd.s32 $0x200, s23;
	v13 =	vadd.f32 v14, v13  }
0xac: {  	v14 =	vld [tilespmem:s24+$0x26D0]  }
0xad: {  	_ =	sdelay $0x3  }
0xae: {  	v13 =	vadd.f32 v14, v13;
	_ =	sdelay $0x1  }
0xaf: {  	v13 =	vmul.f32 $1.960784380e-02, v13  }
0xb0: {  	s23 =	sshrl.u32 s22, $0x3  }
0xb1: {  	s23 =	sadd.s32 s5, s23;
	[tilespmem:$0x11040] =	vst v13  }
0xb2: {  	[hbm4b:s23+s6] =	stream.linear.scatter [tilespmem:s18], [sflag:$0x3], $0x80, $0x38;
	[tilespmem:$0x11050] =	vst v63  }
0xb3: {  	_ =	swait.ge [sflag:s11], $0x80  }
0xb4: {  	[sflag:s11] =	ssyncset.done $0x0  }
0xb5: {  	[sflag:s11] =	ssyncadd.s32 $0xFFFFFF80  }
0xb6: {  	s31 =	smul.u32 $0x34, s22;
	s21 =	sadd.s32 $0x1, s21;
	_ =	swait.ge [sflag:s19], $0xD000  }
0xb7: {  	p0 =	sne.s32 s21, $0x4;
	[sflag:s19] =	ssyncset.done $0x0  }
.Ltmp9:
0xb8: {  	s22 =	sadd.s32 s3, s31;
	[sflag:s19] =	ssyncadd.s32 $0xFFFF3000;
	(pc) =	sbr.rel @p0 .LBB2_2-.Ltmp9, $4  }
0xb9: {  	[hbm4b:s22+s6] =	stream.linear.scatter [tilespmem:s14], [sflag:$0x3], $0xD000, $0x38;
	[tilespmem:$0x11050] =	vst v63  }
0xba: {  	_ =	swait.ge [sflag:s11], $0xD000  }
0xbb: {  	[sflag:s11] =	ssyncset.done $0x0  }
0xbc: {  	[sflag:s11] =	ssyncadd.s32 $0xFFFF3000  }
0xbd: {  	s20 =	sadd.s32 $0x1, s20  }
0xbe: {  	p0 =	sne.s32 s20, s10  }
.Ltmp10:
0xbf: {  	_ = 	snop;
	(pc) =	sbr.rel @p0 .LBB2_1-.Ltmp10, $1  }
0xc0: {  	_ =	sdelay $0x3  }
0xc1: {  	_ =	sfence.sel $0x180000  }
0xc2: {  	[bflag:$0x0] =	sbarrier.arrive $0xFFFF  }
0xc3: {  	p0 =	sne.s32 s7, $0x0;
	_ =	strace $0x90000047  }
0xc4: {  	s0 =	sadd.s32 @!p0 $0x100000, s4;
	[bflag:$0x2] =	sbarrier.arrive $0xFFFF  }
0xc5: {  	[sflag:s0] =	ssyncadd.tile.s32 @!p0 $0x1;
	_ =	shalt  }
.Lfunc_end2:
_tile_overlayer_lowered:
.L_overlay_start_2:
0xc6: {  	(tag) =	ssettag $0x2  }
0xc7: {  	s0 =	rddreg [dreg:$0x0];
	s2 =	stileid.u32  }
0xc8: {  	s1 =	rddreg [dreg:$0x1];
	p0 =	sne.s32 s2, $0x0  }
0xc9: {  	s3 =	rddreg [dreg:$0x2];
	[bflag:$0x3] =	sbarrier.arrive $0xFFFF;
	s2 =	simm.s32 @!p0 $0x1C03  }
0xca: {  	[timem:s3], [sflag:s2] =	dma.local @!p0 [hbm:s0], s1  }
0xcb: {  	s0 =	simm.s32 @!p0 $0x3  }
0xcc: {  	_ =	swait.ge @!p0 [sflag:s0], s1  }
0xcd: {  	s1 =	ssub.s32 @!p0 $0x0, s1;
	[sflag:s0] =	ssyncset.done @!p0 $0x0  }
0xce: {  	[sflag:s0] =	ssyncadd.s32 @!p0 s1  }
0xcf: {  	[bflag:$0x3] =	sbarrier.arrive $0xFFFF  }
0xd0: {  	_ =	shalt  }

</sc_bundles>
